<compile_context>
chip_gen: v7x
topology: tpu7x:2x2x1
jax: 0.10.2.dev20260603
libtpu: 0.0.44.dev20260713+nightly
codegen_flags: <defaults>
</compile_context>

<pallas_src>
import functools
import math

import jax
import jax.numpy as jnp
from jax import lax
from jax.experimental import pallas as pl
from jax.experimental.pallas import tpu as pltpu
from jax.experimental.pallas import tpu_sc as plsc

_D = 1024
_L = 16
_NC = 2
_NS = 16
_NW = _NC * _NS
_C = 16
_NBUF = 7
_K = 6
_SCALE = math.sqrt(_D)


@functools.partial(jax.jit, static_argnames=("batch", "seq"))
def _gather_scale(idx, weight, batch, seq):
    n_rows = batch * seq
    rows_per_w = n_rows // _NW
    w_per_b = seq // rows_per_w
    n_chunks = rows_per_w // _C
    mesh = plsc.VectorSubcoreMesh(core_axis_name="c", subcore_axis_name="s")

    @functools.partial(
        pl.kernel,
        out_type=jax.ShapeDtypeStruct((batch, seq, _D), jnp.float32),
        mesh=mesh,
        scratch_types=[
            pltpu.VMEM((rows_per_w,), jnp.int32),
            pltpu.VMEM((_NBUF, _C, _D), jnp.float32),
            pltpu.SemaphoreType.DMA((_NBUF,)),
            pltpu.SemaphoreType.DMA((_NBUF,)),
        ],
    )
    def body(idx_hbm, w_hbm, out_hbm, idx_v, bufs, gsems, ssems):
        wid = lax.axis_index("s") * _NC + lax.axis_index("c")
        b_idx = wid // w_per_b
        s_base = (wid % w_per_b) * rows_per_w
        pltpu.sync_copy(idx_hbm.at[b_idx, pl.ds(s_base, rows_per_w)], idx_v)

        def gather(j, slot):
            pltpu.async_copy(
                w_hbm.at[idx_v.at[pl.ds(j * _C, _C)]],
                bufs.at[slot],
                gsems.at[slot],
            )

        def scatter(j, slot):
            pltpu.async_copy(
                bufs.at[slot],
                out_hbm.at[b_idx, pl.ds(s_base + j * _C, _C)],
                ssems.at[slot],
            )

        def wait_gather(slot):
            pltpu.make_async_copy(
                w_hbm.at[pl.ds(0, _C)], bufs.at[slot], gsems.at[slot]
            ).wait()

        def wait_scatter(slot):
            pltpu.make_async_copy(
                bufs.at[slot], out_hbm.at[0, pl.ds(0, _C)], ssems.at[slot]
            ).wait()

        def scale(slot):
            def row(r, carry):
                for i in range(_D // _L):
                    sl = pl.ds(i * _L, _L)
                    bufs[slot, r, sl] = bufs[slot, r, sl] * _SCALE
                return carry

            lax.fori_loop(0, _C, row, 0)

        for j in range(_K):
            gather(j, j)

        def step(j, slot):
            wait_gather(slot)
            scale(slot)
            scatter(j, slot)
            nxt_slot = lax.select(
                slot + _K >= _NBUF, slot + _K - _NBUF, slot + _K
            )

            @pl.when(j + _K < n_chunks)
            def _():
                @pl.when(j + _K - _NBUF >= 0)
                def _():
                    wait_scatter(nxt_slot)

                gather(j + _K, nxt_slot)

            return lax.select(slot == _NBUF - 1, 0, slot + 1)

        lax.fori_loop(0, n_chunks, step, 0)
        for j in range(max(0, n_chunks - _NBUF), n_chunks):
            wait_scatter(j % _NBUF)

    return body(idx, weight)


def kernel(input_ids, weight):
    b, s = input_ids.shape
    return _gather_scale(input_ids.astype(jnp.int32), weight, b, s)

# --- scband reference (transcript-rebuilt; emitter-appended) ---
"""Pipeline reference for scband-scaled-embedding-17927193493864 (READ-ONLY COPY).

The authoritative reference and input builder live on the scoring server;
editing this copy changes nothing except your own understanding.
"""

import math
import jax, jax.numpy as jnp
import numpy as np

VOCAB_SIZE = 100000
HIDDEN_SIZE = 1024
BATCH = 4
SEQ_LEN = 4096

def setup_inputs(seed: int = 0) -> dict:
    key = jax.random.key(seed)
    k_ids, k_w = jax.random.split(key)
    input_ids = jax.random.randint(k_ids, (BATCH, SEQ_LEN), 0, VOCAB_SIZE, dtype=jnp.int64 if jax.config.read('jax_enable_x64') else jnp.int32)
    weight = jax.random.normal(k_w, (VOCAB_SIZE, HIDDEN_SIZE), dtype=jnp.float32) * 0.02
    return {"input_ids": input_ids, "weight": weight}

def reference(input_ids, weight):
    scale = math.sqrt(HIDDEN_SIZE)
    embedded = jnp.take(weight, input_ids, axis=0)
    return embedded * scale

if __name__ == "__main__":
    import jax
    _d = setup_inputs()
    print(jax.jit(kernel)(*tuple(_d.values())))

</pallas_src>

<mosaic_0001>
#map = affine_map<(d0, d1) -> (0, 0)>
#map1 = affine_map<(d0, d1) -> (0, 0, 0)>
module attributes {stable_mosaic.version = 14 : i64} {
  func.func @body(%arg0: i32, %arg1: i32, %arg2: memref<4x4096xi32, #tpu.memory_space<hbm>>, %arg3: memref<100000x1024xf32, #tpu.memory_space<hbm>>, %arg4: memref<4x4096x1024xf32, #tpu.memory_space<hbm>>, %arg5: memref<512xi32, #tpu.memory_space<vmem>>, %arg6: memref<7x16x1024xf32, #tpu.memory_space<vmem>>, %arg7: memref<7x!tpu.dma_semaphore, #tpu.memory_space<semaphore_mem>>, %arg8: memref<7x!tpu.dma_semaphore, #tpu.memory_space<semaphore_mem>>) attributes {dimension_semantics = [#tpu.dimension_semantics<core_parallel>, #tpu.dimension_semantics<subcore_parallel>], iteration_bounds = array<i64: 2, 16>, scalar_prefetch = 0 : i64, scratch_operands = 4 : i64, tpu.core_type = #tpu.core_type<sc_vector_subcore>, window_params = [{transform_indices = #map}, {transform_indices = #map}, {transform_indices = #map1}]} {
    %mul3A = arith.constant 2 : i32
    %mul3A_0 = arith.muli %arg1, %mul3A : i32
    %add3A = arith.addi %mul3A_0, %arg0 : i32
    %jit3A = arith.constant 8 : i32
    %div3A = arith.divsi %add3A, %jit3A : i32
    %sign3A = arith.constant 0 : i32
    %sign3A_1 = arith.cmpi sgt, %add3A, %sign3A : i32
    %sign3A_2 = arith.extui %sign3A_1 : i1 to i32
    %sign3A_3 = arith.constant 0 : i32
    %sign3A_4 = arith.cmpi slt, %add3A, %sign3A_3 : i32
    %sign3A_5 = arith.extui %sign3A_4 : i1 to i32
    %sign3A_6 = arith.subi %sign3A_2, %sign3A_5 : i32
    %sign3A_7 = arith.constant 0 : i32
    %sign3A_8 = arith.cmpi sgt, %jit3A, %sign3A_7 : i32
    %sign3A_9 = arith.extui %sign3A_8 : i1 to i32
    %sign3A_10 = arith.constant 0 : i32
    %sign3A_11 = arith.cmpi slt, %jit3A, %sign3A_10 : i32
    %sign3A_12 = arith.extui %sign3A_11 : i1 to i32
    %sign3A_13 = arith.subi %sign3A_9, %sign3A_12 : i32
    %ne3A = arith.cmpi ne, %sign3A_6, %sign3A_13 : i32
    %rem3A = arith.remsi %add3A, %jit3A : i32
    %ne3A_14 = arith.constant 0 : i32
    %ne3A_15 = arith.cmpi ne, %rem3A, %ne3A_14 : i32
    %and3A = arith.andi %ne3A, %ne3A_15 : i1
    %sub3A = arith.constant 1 : i32
    %sub3A_16 = arith.subi %div3A, %sub3A : i32
    %select_n3A = arith.select %and3A, %sub3A_16, %div3A : i32
    %jit3A_17 = arith.constant 8 : i32
    %eq3A = arith.constant 0 : i32
    %eq3A_18 = arith.cmpi eq, %jit3A_17, %eq3A : i32
    %jit3A_19 = arith.constant 1 : i32
    %select_n3A_20 = arith.select %eq3A_18, %jit3A_19, %jit3A_17 : i32
    %rem3A_21 = arith.remsi %add3A, %select_n3A_20 : i32
    %ne3A_22 = arith.constant 0 : i32
    %ne3A_23 = arith.cmpi ne, %rem3A_21, %ne3A_22 : i32
    %lt3A = arith.constant 0 : i32
    %lt3A_24 = arith.cmpi slt, %rem3A_21, %lt3A : i32
    %lt3A_25 = arith.constant 0 : i32
    %lt3A_26 = arith.cmpi slt, %select_n3A_20, %lt3A_25 : i32
    %ne3A_27 = arith.xori %lt3A_24, %lt3A_26 : i1
    %and3A_28 = arith.andi %ne3A_27, %ne3A_23 : i1
    %add3A_29 = arith.addi %rem3A_21, %select_n3A_20 : i32
    %select_n3A_30 = arith.select %and3A_28, %add3A_29, %rem3A_21 : i32
    %mul3A_31 = arith.constant 512 : i32
    %mul3A_32 = arith.muli %select_n3A_30, %mul3A_31 : i32
    "tpu.region"() ({
      %run_scoped3A = tpu.sem_alloc : memref<!tpu.dma_semaphore, #tpu.memory_space<semaphore_mem>>
      %dma_start3A_262 = tpu.memref_slice %arg2[%select_n3A, %mul3A_32] : memref<4x4096xi32, #tpu.memory_space<hbm>> -> memref<1x512xi32, #tpu.memory_space<hbm>>
      %dma_start3A_263 = tpu.memref_squeeze %dma_start3A_262 : memref<1x512xi32, #tpu.memory_space<hbm>> -> memref<512xi32, #tpu.memory_space<hbm>>
      %dma_start3A_264 = tpu.memref_slice %arg2[%select_n3A, %mul3A_32] : memref<4x4096xi32, #tpu.memory_space<hbm>> -> memref<1x512xi32, #tpu.memory_space<hbm>>
      %dma_start3A_265 = tpu.memref_squeeze %dma_start3A_264 : memref<1x512xi32, #tpu.memory_space<hbm>> -> memref<512xi32, #tpu.memory_space<hbm>>
      tpu.enqueue_dma source(%dma_start3A_265 : memref<512xi32, #tpu.memory_space<hbm>>) target(%arg5 : memref<512xi32, #tpu.memory_space<vmem>>) target_semaphore(%run_scoped3A : memref<!tpu.dma_semaphore, #tpu.memory_space<semaphore_mem>>)
      %dma_wait3A_266 = tpu.memref_slice %arg2[%select_n3A, %mul3A_32] : memref<4x4096xi32, #tpu.memory_space<hbm>> -> memref<1x512xi32, #tpu.memory_space<hbm>>
      %dma_wait3A_267 = tpu.memref_squeeze %dma_wait3A_266 : memref<1x512xi32, #tpu.memory_space<hbm>> -> memref<512xi32, #tpu.memory_space<hbm>>
      %dma_wait3A_268 = tpu.memref_slice %arg2[%select_n3A, %mul3A_32] : memref<4x4096xi32, #tpu.memory_space<hbm>> -> memref<1x512xi32, #tpu.memory_space<hbm>>
      %dma_wait3A_269 = tpu.memref_squeeze %dma_wait3A_268 : memref<1x512xi32, #tpu.memory_space<hbm>> -> memref<512xi32, #tpu.memory_space<hbm>>
      tpu.wait_dma2 semaphore(%run_scoped3A : memref<!tpu.dma_semaphore, #tpu.memory_space<semaphore_mem>>) src(%dma_wait3A_269 : memref<512xi32, #tpu.memory_space<hbm>>) dst(%arg5 : memref<512xi32, #tpu.memory_space<vmem>>)
      tpu.yield
    }) : () -> ()
    %dma_start3A = arith.constant 0 : i32
    %dma_start3A_33 = arith.constant 0 : i32
    %dma_start3A_34 = arith.constant 0 : i32
    %dma_start3A_35 = arith.constant 0 : i32
    %dma_start3A_36 = tpu.memref_slice %arg6[%dma_start3A, %dma_start3A_34, %dma_start3A_35] : memref<7x16x1024xf32, #tpu.memory_space<vmem>> -> memref<1x16x1024xf32, #tpu.memory_space<vmem>>
    %dma_start3A_37 = tpu.memref_squeeze %dma_start3A_36 : memref<1x16x1024xf32, #tpu.memory_space<vmem>> -> memref<16x1024xf32, #tpu.memory_space<vmem>>
    %dma_start3A_38 = arith.constant 0 : i32
    %dma_start3A_39 = tpu.memref_slice %arg5[%dma_start3A_38] : memref<512xi32, #tpu.memory_space<vmem>> -> memref<16xi32, #tpu.memory_space<vmem>>
    %dma_start3A_40 = arith.constant 0 : i32
    %dma_start3A_41 = arith.constant 0 : i32
    %dma_start3A_42 = tpu.memref_slice %arg3[%dma_start3A_40, %dma_start3A_41] : memref<100000x1024xf32, #tpu.memory_space<hbm>> -> memref<100000x1024xf32, #tpu.memory_space<hbm>>
    %dma_start3A_43 = tpu.memref_slice %arg7[%dma_start3A_33] : memref<7x!tpu.dma_semaphore, #tpu.memory_space<semaphore_mem>> -> memref<1x!tpu.dma_semaphore, #tpu.memory_space<semaphore_mem>>
    %dma_start3A_44 = tpu.memref_squeeze %dma_start3A_43 : memref<1x!tpu.dma_semaphore, #tpu.memory_space<semaphore_mem>> -> memref<!tpu.dma_semaphore, #tpu.memory_space<semaphore_mem>>
    tpu.enqueue_indirect_dma source(%dma_start3A_42 : memref<100000x1024xf32, #tpu.memory_space<hbm>>) target(%dma_start3A_37 : memref<16x1024xf32, #tpu.memory_space<vmem>>) offsets(%dma_start3A_39 : memref<16xi32, #tpu.memory_space<vmem>>) semaphore(%dma_start3A_44 : memref<!tpu.dma_semaphore, #tpu.memory_space<semaphore_mem>>)
    %dma_start3A_45 = arith.constant 1 : i32
    %dma_start3A_46 = arith.constant 1 : i32
    %dma_start3A_47 = arith.constant 0 : i32
    %dma_start3A_48 = arith.constant 0 : i32
    %dma_start3A_49 = tpu.memref_slice %arg6[%dma_start3A_45, %dma_start3A_47, %dma_start3A_48] : memref<7x16x1024xf32, #tpu.memory_space<vmem>> -> memref<1x16x1024xf32, #tpu.memory_space<vmem>>
    %dma_start3A_50 = tpu.memref_squeeze %dma_start3A_49 : memref<1x16x1024xf32, #tpu.memory_space<vmem>> -> memref<16x1024xf32, #tpu.memory_space<vmem>>
    %dma_start3A_51 = arith.constant 16 : i32
    %dma_start3A_52 = tpu.memref_slice %arg5[%dma_start3A_51] : memref<512xi32, #tpu.memory_space<vmem>> -> memref<16xi32, #tpu.memory_space<vmem>>
    %dma_start3A_53 = arith.constant 0 : i32
    %dma_start3A_54 = arith.constant 0 : i32
    %dma_start3A_55 = tpu.memref_slice %arg3[%dma_start3A_53, %dma_start3A_54] : memref<100000x1024xf32, #tpu.memory_space<hbm>> -> memref<100000x1024xf32, #tpu.memory_space<hbm>>
    %dma_start3A_56 = tpu.memref_slice %arg7[%dma_start3A_46] : memref<7x!tpu.dma_semaphore, #tpu.memory_space<semaphore_mem>> -> memref<1x!tpu.dma_semaphore, #tpu.memory_space<semaphore_mem>>
    %dma_start3A_57 = tpu.memref_squeeze %dma_start3A_56 : memref<1x!tpu.dma_semaphore, #tpu.memory_space<semaphore_mem>> -> memref<!tpu.dma_semaphore, #tpu.memory_space<semaphore_mem>>
    tpu.enqueue_indirect_dma source(%dma_start3A_55 : memref<100000x1024xf32, #tpu.memory_space<hbm>>) target(%dma_start3A_50 : memref<16x1024xf32, #tpu.memory_space<vmem>>) offsets(%dma_start3A_52 : memref<16xi32, #tpu.memory_space<vmem>>) semaphore(%dma_start3A_57 : memref<!tpu.dma_semaphore, #tpu.memory_space<semaphore_mem>>)
    %dma_start3A_58 = arith.constant 2 : i32
    %dma_start3A_59 = arith.constant 2 : i32
    %dma_start3A_60 = arith.constant 0 : i32
    %dma_start3A_61 = arith.constant 0 : i32
    %dma_start3A_62 = tpu.memref_slice %arg6[%dma_start3A_58, %dma_start3A_60, %dma_start3A_61] : memref<7x16x1024xf32, #tpu.memory_space<vmem>> -> memref<1x16x1024xf32, #tpu.memory_space<vmem>>
    %dma_start3A_63 = tpu.memref_squeeze %dma_start3A_62 : memref<1x16x1024xf32, #tpu.memory_space<vmem>> -> memref<16x1024xf32, #tpu.memory_space<vmem>>
    %dma_start3A_64 = arith.constant 32 : i32
    %dma_start3A_65 = tpu.memref_slice %arg5[%dma_start3A_64] : memref<512xi32, #tpu.memory_space<vmem>> -> memref<16xi32, #tpu.memory_space<vmem>>
    %dma_start3A_66 = arith.constant 0 : i32
    %dma_start3A_67 = arith.constant 0 : i32
    %dma_start3A_68 = tpu.memref_slice %arg3[%dma_start3A_66, %dma_start3A_67] : memref<100000x1024xf32, #tpu.memory_space<hbm>> -> memref<100000x1024xf32, #tpu.memory_space<hbm>>
    %dma_start3A_69 = tpu.memref_slice %arg7[%dma_start3A_59] : memref<7x!tpu.dma_semaphore, #tpu.memory_space<semaphore_mem>> -> memref<1x!tpu.dma_semaphore, #tpu.memory_space<semaphore_mem>>
    %dma_start3A_70 = tpu.memref_squeeze %dma_start3A_69 : memref<1x!tpu.dma_semaphore, #tpu.memory_space<semaphore_mem>> -> memref<!tpu.dma_semaphore, #tpu.memory_space<semaphore_mem>>
    tpu.enqueue_indirect_dma source(%dma_start3A_68 : memref<100000x1024xf32, #tpu.memory_space<hbm>>) target(%dma_start3A_63 : memref<16x1024xf32, #tpu.memory_space<vmem>>) offsets(%dma_start3A_65 : memref<16xi32, #tpu.memory_space<vmem>>) semaphore(%dma_start3A_70 : memref<!tpu.dma_semaphore, #tpu.memory_space<semaphore_mem>>)
    %dma_start3A_71 = arith.constant 3 : i32
    %dma_start3A_72 = arith.constant 3 : i32
    %dma_start3A_73 = arith.constant 0 : i32
    %dma_start3A_74 = arith.constant 0 : i32
    %dma_start3A_75 = tpu.memref_slice %arg6[%dma_start3A_71, %dma_start3A_73, %dma_start3A_74] : memref<7x16x1024xf32, #tpu.memory_space<vmem>> -> memref<1x16x1024xf32, #tpu.memory_space<vmem>>
    %dma_start3A_76 = tpu.memref_squeeze %dma_start3A_75 : memref<1x16x1024xf32, #tpu.memory_space<vmem>> -> memref<16x1024xf32, #tpu.memory_space<vmem>>
    %dma_start3A_77 = arith.constant 48 : i32
    %dma_start3A_78 = tpu.memref_slice %arg5[%dma_start3A_77] : memref<512xi32, #tpu.memory_space<vmem>> -> memref<16xi32, #tpu.memory_space<vmem>>
    %dma_start3A_79 = arith.constant 0 : i32
    %dma_start3A_80 = arith.constant 0 : i32
    %dma_start3A_81 = tpu.memref_slice %arg3[%dma_start3A_79, %dma_start3A_80] : memref<100000x1024xf32, #tpu.memory_space<hbm>> -> memref<100000x1024xf32, #tpu.memory_space<hbm>>
    %dma_start3A_82 = tpu.memref_slice %arg7[%dma_start3A_72] : memref<7x!tpu.dma_semaphore, #tpu.memory_space<semaphore_mem>> -> memref<1x!tpu.dma_semaphore, #tpu.memory_space<semaphore_mem>>
    %dma_start3A_83 = tpu.memref_squeeze %dma_start3A_82 : memref<1x!tpu.dma_semaphore, #tpu.memory_space<semaphore_mem>> -> memref<!tpu.dma_semaphore, #tpu.memory_space<semaphore_mem>>
    tpu.enqueue_indirect_dma source(%dma_start3A_81 : memref<100000x1024xf32, #tpu.memory_space<hbm>>) target(%dma_start3A_76 : memref<16x1024xf32, #tpu.memory_space<vmem>>) offsets(%dma_start3A_78 : memref<16xi32, #tpu.memory_space<vmem>>) semaphore(%dma_start3A_83 : memref<!tpu.dma_semaphore, #tpu.memory_space<semaphore_mem>>)
    %dma_start3A_84 = arith.constant 4 : i32
    %dma_start3A_85 = arith.constant 4 : i32
    %dma_start3A_86 = arith.constant 0 : i32
    %dma_start3A_87 = arith.constant 0 : i32
    %dma_start3A_88 = tpu.memref_slice %arg6[%dma_start3A_84, %dma_start3A_86, %dma_start3A_87] : memref<7x16x1024xf32, #tpu.memory_space<vmem>> -> memref<1x16x1024xf32, #tpu.memory_space<vmem>>
    %dma_start3A_89 = tpu.memref_squeeze %dma_start3A_88 : memref<1x16x1024xf32, #tpu.memory_space<vmem>> -> memref<16x1024xf32, #tpu.memory_space<vmem>>
    %dma_start3A_90 = arith.constant 64 : i32
    %dma_start3A_91 = tpu.memref_slice %arg5[%dma_start3A_90] : memref<512xi32, #tpu.memory_space<vmem>> -> memref<16xi32, #tpu.memory_space<vmem>>
    %dma_start3A_92 = arith.constant 0 : i32
    %dma_start3A_93 = arith.constant 0 : i32
    %dma_start3A_94 = tpu.memref_slice %arg3[%dma_start3A_92, %dma_start3A_93] : memref<100000x1024xf32, #tpu.memory_space<hbm>> -> memref<100000x1024xf32, #tpu.memory_space<hbm>>
    %dma_start3A_95 = tpu.memref_slice %arg7[%dma_start3A_85] : memref<7x!tpu.dma_semaphore, #tpu.memory_space<semaphore_mem>> -> memref<1x!tpu.dma_semaphore, #tpu.memory_space<semaphore_mem>>
    %dma_start3A_96 = tpu.memref_squeeze %dma_start3A_95 : memref<1x!tpu.dma_semaphore, #tpu.memory_space<semaphore_mem>> -> memref<!tpu.dma_semaphore, #tpu.memory_space<semaphore_mem>>
    tpu.enqueue_indirect_dma source(%dma_start3A_94 : memref<100000x1024xf32, #tpu.memory_space<hbm>>) target(%dma_start3A_89 : memref<16x1024xf32, #tpu.memory_space<vmem>>) offsets(%dma_start3A_91 : memref<16xi32, #tpu.memory_space<vmem>>) semaphore(%dma_start3A_96 : memref<!tpu.dma_semaphore, #tpu.memory_space<semaphore_mem>>)
    %dma_start3A_97 = arith.constant 5 : i32
    %dma_start3A_98 = arith.constant 5 : i32
    %dma_start3A_99 = arith.constant 0 : i32
    %dma_start3A_100 = arith.constant 0 : i32
    %dma_start3A_101 = tpu.memref_slice %arg6[%dma_start3A_97, %dma_start3A_99, %dma_start3A_100] : memref<7x16x1024xf32, #tpu.memory_space<vmem>> -> memref<1x16x1024xf32, #tpu.memory_space<vmem>>
    %dma_start3A_102 = tpu.memref_squeeze %dma_start3A_101 : memref<1x16x1024xf32, #tpu.memory_space<vmem>> -> memref<16x1024xf32, #tpu.memory_space<vmem>>
    %dma_start3A_103 = arith.constant 80 : i32
    %dma_start3A_104 = tpu.memref_slice %arg5[%dma_start3A_103] : memref<512xi32, #tpu.memory_space<vmem>> -> memref<16xi32, #tpu.memory_space<vmem>>
    %dma_start3A_105 = arith.constant 0 : i32
    %dma_start3A_106 = arith.constant 0 : i32
    %dma_start3A_107 = tpu.memref_slice %arg3[%dma_start3A_105, %dma_start3A_106] : memref<100000x1024xf32, #tpu.memory_space<hbm>> -> memref<100000x1024xf32, #tpu.memory_space<hbm>>
    %dma_start3A_108 = tpu.memref_slice %arg7[%dma_start3A_98] : memref<7x!tpu.dma_semaphore, #tpu.memory_space<semaphore_mem>> -> memref<1x!tpu.dma_semaphore, #tpu.memory_space<semaphore_mem>>
    %dma_start3A_109 = tpu.memref_squeeze %dma_start3A_108 : memref<1x!tpu.dma_semaphore, #tpu.memory_space<semaphore_mem>> -> memref<!tpu.dma_semaphore, #tpu.memory_space<semaphore_mem>>
    tpu.enqueue_indirect_dma source(%dma_start3A_107 : memref<100000x1024xf32, #tpu.memory_space<hbm>>) target(%dma_start3A_102 : memref<16x1024xf32, #tpu.memory_space<vmem>>) offsets(%dma_start3A_104 : memref<16xi32, #tpu.memory_space<vmem>>) semaphore(%dma_start3A_109 : memref<!tpu.dma_semaphore, #tpu.memory_space<semaphore_mem>>)
    %scan3A = arith.constant 0 : i32
    %scan3A_110 = arith.constant 0 : i32
    %scan3A_111 = arith.constant 32 : i32
    %scan3A_112 = arith.addi %scan3A_110, %scan3A_111 : i32
    %scan3A_113 = arith.constant 1 : i32
    %scan3A_114 = scf.for %scan3A_262 = %scan3A_110 to %scan3A_112 step %scan3A_113 iter_args(%scan3A_263 = %scan3A) -> (i32)  : i32 {
      %dma_wait3A_264 = arith.constant 0 : i32
      %dma_wait3A_265 = arith.constant 0 : i32
      %dma_wait3A_266 = tpu.memref_slice %arg6[%scan3A_263, %dma_wait3A_264, %dma_wait3A_265] : memref<7x16x1024xf32, #tpu.memory_space<vmem>> -> memref<1x16x1024xf32, #tpu.memory_space<vmem>>
      %dma_wait3A_267 = tpu.memref_squeeze %dma_wait3A_266 : memref<1x16x1024xf32, #tpu.memory_space<vmem>> -> memref<16x1024xf32, #tpu.memory_space<vmem>>
      %dma_wait3A_268 = arith.constant 0 : i32
      %dma_wait3A_269 = arith.constant 0 : i32
      %dma_wait3A_270 = tpu.memref_slice %arg3[%dma_wait3A_268, %dma_wait3A_269] : memref<100000x1024xf32, #tpu.memory_space<hbm>> -> memref<16x1024xf32, #tpu.memory_space<hbm>>
      %dma_wait3A_271 = tpu.memref_slice %arg7[%scan3A_263] : memref<7x!tpu.dma_semaphore, #tpu.memory_space<semaphore_mem>> -> memref<1x!tpu.dma_semaphore, #tpu.memory_space<semaphore_mem>>
      %dma_wait3A_272 = tpu.memref_squeeze %dma_wait3A_271 : memref<1x!tpu.dma_semaphore, #tpu.memory_space<semaphore_mem>> -> memref<!tpu.dma_semaphore, #tpu.memory_space<semaphore_mem>>
      %dma_wait3A_273 = arith.constant 0 : i32
      %dma_wait3A_274 = arith.constant 0 : i32
      %dma_wait3A_275 = tpu.memref_slice %arg6[%scan3A_263, %dma_wait3A_273, %dma_wait3A_274] : memref<7x16x1024xf32, #tpu.memory_space<vmem>> -> memref<1x16x1024xf32, #tpu.memory_space<vmem>>
      %dma_wait3A_276 = tpu.memref_squeeze %dma_wait3A_275 : memref<1x16x1024xf32, #tpu.memory_space<vmem>> -> memref<16x1024xf32, #tpu.memory_space<vmem>>
      %dma_wait3A_277 = arith.constant 0 : i32
      %dma_wait3A_278 = arith.constant 0 : i32
      %dma_wait3A_279 = tpu.memref_slice %arg3[%dma_wait3A_277, %dma_wait3A_278] : memref<100000x1024xf32, #tpu.memory_space<hbm>> -> memref<16x1024xf32, #tpu.memory_space<hbm>>
      tpu.wait_dma2 semaphore(%dma_wait3A_272 : memref<!tpu.dma_semaphore, #tpu.memory_space<semaphore_mem>>) src(%dma_wait3A_279 : memref<16x1024xf32, #tpu.memory_space<hbm>>) dst(%dma_wait3A_276 : memref<16x1024xf32, #tpu.memory_space<vmem>>)
      %scan3A_280 = arith.constant 0 : i32
      %scan3A_281 = arith.constant 0 : i32
      %scan3A_282 = arith.constant 16 : i32
      %scan3A_283 = arith.addi %scan3A_281, %scan3A_282 : i32
      %scan3A_284 = arith.constant 1 : i32
      scf.for %scan3A_326 = %scan3A_281 to %scan3A_283 step %scan3A_284  : i32 {
        %get3A = arith.index_cast %scan3A_263 : i32 to index
        %get3A_327 = arith.index_cast %scan3A_326 : i32 to index
        %get3A_328 = arith.constant 0 : index
        %get3A_329 = tpu.vector_load %arg6[%get3A, %get3A_327, %get3A_328] {strides = array<i32>} : memref<7x16x1024xf32, #tpu.memory_space<vmem>>, vector<1x1x16xf32>,
        %get3A_330 = vector.shape_cast %get3A_329 : vector<1x1x16xf32> to vector<16xf32>
        %mul3A_331 = arith.constant 3.200000e+01 : f32
        %mul3A_332 = vector.broadcast %mul3A_331 : f32 to vector<16xf32>
        %mul3A_333 = arith.mulf %get3A_330, %mul3A_332 : vector<16xf32>
        %swap3A = arith.index_cast %scan3A_263 : i32 to index
        %swap3A_334 = arith.index_cast %scan3A_326 : i32 to index
        %swap3A_335 = arith.constant 0 : index
        %swap3A_336 = tpu.vector_load %arg6[%swap3A, %swap3A_334, %swap3A_335] {strides = array<i32>} : memref<7x16x1024xf32, #tpu.memory_space<vmem>>, vector<1x1x16xf32>,
        %swap3A_337 = vector.shape_cast %swap3A_336 : vector<1x1x16xf32> to vector<16xf32>
        %swap3A_338 = vector.shape_cast %mul3A_333 : vector<16xf32> to vector<1x1x16xf32>
        tpu.vector_store %arg6[%swap3A, %swap3A_334, %swap3A_335], %swap3A_338 {strides = array<i32>} : memref<7x16x1024xf32, #tpu.memory_space<vmem>>, vector<1x1x16xf32>,
        %get3A_339 = arith.index_cast %scan3A_263 : i32 to index
        %get3A_340 = arith.index_cast %scan3A_326 : i32 to index
        %get3A_341 = arith.constant 16 : index
        %get3A_342 = tpu.vector_load %arg6[%get3A_339, %get3A_340, %get3A_341] {strides = array<i32>} : memref<7x16x1024xf32, #tpu.memory_space<vmem>>, vector<1x1x16xf32>,
        %get3A_343 = vector.shape_cast %get3A_342 : vector<1x1x16xf32> to vector<16xf32>
        %mul3A_344 = arith.constant 3.200000e+01 : f32
        %mul3A_345 = vector.broadcast %mul3A_344 : f32 to vector<16xf32>
        %mul3A_346 = arith.mulf %get3A_343, %mul3A_345 : vector<16xf32>
        %swap3A_347 = arith.index_cast %scan3A_263 : i32 to index
        %swap3A_348 = arith.index_cast %scan3A_326 : i32 to index
        %swap3A_349 = arith.constant 16 : index
        %swap3A_350 = tpu.vector_load %arg6[%swap3A_347, %swap3A_348, %swap3A_349] {strides = array<i32>} : memref<7x16x1024xf32, #tpu.memory_space<vmem>>, vector<1x1x16xf32>,
        %swap3A_351 = vector.shape_cast %swap3A_350 : vector<1x1x16xf32> to vector<16xf32>
        %swap3A_352 = vector.shape_cast %mul3A_346 : vector<16xf32> to vector<1x1x16xf32>
        tpu.vector_store %arg6[%swap3A_347, %swap3A_348, %swap3A_349], %swap3A_352 {strides = array<i32>} : memref<7x16x1024xf32, #tpu.memory_space<vmem>>, vector<1x1x16xf32>,
        %get3A_353 = arith.index_cast %scan3A_263 : i32 to index
        %get3A_354 = arith.index_cast %scan3A_326 : i32 to index
        %get3A_355 = arith.constant 32 : index
        %get3A_356 = tpu.vector_load %arg6[%get3A_353, %get3A_354, %get3A_355] {strides = array<i32>} : memref<7x16x1024xf32, #tpu.memory_space<vmem>>, vector<1x1x16xf32>,
        %get3A_357 = vector.shape_cast %get3A_356 : vector<1x1x16xf32> to vector<16xf32>
        %mul3A_358 = arith.constant 3.200000e+01 : f32
        %mul3A_359 = vector.broadcast %mul3A_358 : f32 to vector<16xf32>
        %mul3A_360 = arith.mulf %get3A_357, %mul3A_359 : vector<16xf32>
        %swap3A_361 = arith.index_cast %scan3A_263 : i32 to index
        %swap3A_362 = arith.index_cast %scan3A_326 : i32 to index
        %swap3A_363 = arith.constant 32 : index
        %swap3A_364 = tpu.vector_load %arg6[%swap3A_361, %swap3A_362, %swap3A_363] {strides = array<i32>} : memref<7x16x1024xf32, #tpu.memory_space<vmem>>, vector<1x1x16xf32>,
        %swap3A_365 = vector.shape_cast %swap3A_364 : vector<1x1x16xf32> to vector<16xf32>
        %swap3A_366 = vector.shape_cast %mul3A_360 : vector<16xf32> to vector<1x1x16xf32>
        tpu.vector_store %arg6[%swap3A_361, %swap3A_362, %swap3A_363], %swap3A_366 {strides = array<i32>} : memref<7x16x1024xf32, #tpu.memory_space<vmem>>, vector<1x1x16xf32>,
        %get3A_367 = arith.index_cast %scan3A_263 : i32 to index
        %get3A_368 = arith.index_cast %scan3A_326 : i32 to index
        %get3A_369 = arith.constant 48 : index
        %get3A_370 = tpu.vector_load %arg6[%get3A_367, %get3A_368, %get3A_369] {strides = array<i32>} : memref<7x16x1024xf32, #tpu.memory_space<vmem>>, vector<1x1x16xf32>,
        %get3A_371 = vector.shape_cast %get3A_370 : vector<1x1x16xf32> to vector<16xf32>
        %mul3A_372 = arith.constant 3.200000e+01 : f32
        %mul3A_373 = vector.broadcast %mul3A_372 : f32 to vector<16xf32>
        %mul3A_374 = arith.mulf %get3A_371, %mul3A_373 : vector<16xf32>
        %swap3A_375 = arith.index_cast %scan3A_263 : i32 to index
        %swap3A_376 = arith.index_cast %scan3A_326 : i32 to index
        %swap3A_377 = arith.constant 48 : index
        %swap3A_378 = tpu.vector_load %arg6[%swap3A_375, %swap3A_376, %swap3A_377] {strides = array<i32>} : memref<7x16x1024xf32, #tpu.memory_space<vmem>>, vector<1x1x16xf32>,
        %swap3A_379 = vector.shape_cast %swap3A_378 : vector<1x1x16xf32> to vector<16xf32>
        %swap3A_380 = vector.shape_cast %mul3A_374 : vector<16xf32> to vector<1x1x16xf32>
        tpu.vector_store %arg6[%swap3A_375, %swap3A_376, %swap3A_377], %swap3A_380 {strides = array<i32>} : memref<7x16x1024xf32, #tpu.memory_space<vmem>>, vector<1x1x16xf32>,
        %get3A_381 = arith.index_cast %scan3A_263 : i32 to index
        %get3A_382 = arith.index_cast %scan3A_326 : i32 to index
        %get3A_383 = arith.constant 64 : index
        %get3A_384 = tpu.vector_load %arg6[%get3A_381, %get3A_382, %get3A_383] {strides = array<i32>} : memref<7x16x1024xf32, #tpu.memory_space<vmem>>, vector<1x1x16xf32>,
        %get3A_385 = vector.shape_cast %get3A_384 : vector<1x1x16xf32> to vector<16xf32>
        %mul3A_386 = arith.constant 3.200000e+01 : f32
        %mul3A_387 = vector.broadcast %mul3A_386 : f32 to vector<16xf32>
        %mul3A_388 = arith.mulf %get3A_385, %mul3A_387 : vector<16xf32>
        %swap3A_389 = arith.index_cast %scan3A_263 : i32 to index
        %swap3A_390 = arith.index_cast %scan3A_326 : i32 to index
        %swap3A_391 = arith.constant 64 : index
        %swap3A_392 = tpu.vector_load %arg6[%swap3A_389, %swap3A_390, %swap3A_391] {strides = array<i32>} : memref<7x16x1024xf32, #tpu.memory_space<vmem>>, vector<1x1x16xf32>,
        %swap3A_393 = vector.shape_cast %swap3A_392 : vector<1x1x16xf32> to vector<16xf32>
        %swap3A_394 = vector.shape_cast %mul3A_388 : vector<16xf32> to vector<1x1x16xf32>
        tpu.vector_store %arg6[%swap3A_389, %swap3A_390, %swap3A_391], %swap3A_394 {strides = array<i32>} : memref<7x16x1024xf32, #tpu.memory_space<vmem>>, vector<1x1x16xf32>,
        %get3A_395 = arith.index_cast %scan3A_263 : i32 to index
        %get3A_396 = arith.index_cast %scan3A_326 : i32 to index
        %get3A_397 = arith.constant 80 : index
        %get3A_398 = tpu.vector_load %arg6[%get3A_395, %get3A_396, %get3A_397] {strides = array<i32>} : memref<7x16x1024xf32, #tpu.memory_space<vmem>>, vector<1x1x16xf32>,
        %get3A_399 = vector.shape_cast %get3A_398 : vector<1x1x16xf32> to vector<16xf32>
        %mul3A_400 = arith.constant 3.200000e+01 : f32
        %mul3A_401 = vector.broadcast %mul3A_400 : f32 to vector<16xf32>
        %mul3A_402 = arith.mulf %get3A_399, %mul3A_401 : vector<16xf32>
        %swap3A_403 = arith.index_cast %scan3A_263 : i32 to index
        %swap3A_404 = arith.index_cast %scan3A_326 : i32 to index
        %swap3A_405 = arith.constant 80 : index
        %swap3A_406 = tpu.vector_load %arg6[%swap3A_403, %swap3A_404, %swap3A_405] {strides = array<i32>} : memref<7x16x1024xf32, #tpu.memory_space<vmem>>, vector<1x1x16xf32>,
        %swap3A_407 = vector.shape_cast %swap3A_406 : vector<1x1x16xf32> to vector<16xf32>
        %swap3A_408 = vector.shape_cast %mul3A_402 : vector<16xf32> to vector<1x1x16xf32>
        tpu.vector_store %arg6[%swap3A_403, %swap3A_404, %swap3A_405], %swap3A_408 {strides = array<i32>} : memref<7x16x1024xf32, #tpu.memory_space<vmem>>, vector<1x1x16xf32>,
        %get3A_409 = arith.index_cast %scan3A_263 : i32 to index
        %get3A_410 = arith.index_cast %scan3A_326 : i32 to index
        %get3A_411 = arith.constant 96 : index
        %get3A_412 = tpu.vector_load %arg6[%get3A_409, %get3A_410, %get3A_411] {strides = array<i32>} : memref<7x16x1024xf32, #tpu.memory_space<vmem>>, vector<1x1x16xf32>,
        %get3A_413 = vector.shape_cast %get3A_412 : vector<1x1x16xf32> to vector<16xf32>
        %mul3A_414 = arith.constant 3.200000e+01 : f32
        %mul3A_415 = vector.broadcast %mul3A_414 : f32 to vector<16xf32>
        %mul3A_416 = arith.mulf %get3A_413, %mul3A_415 : vector<16xf32>
        %swap3A_417 = arith.index_cast %scan3A_263 : i32 to index
        %swap3A_418 = arith.index_cast %scan3A_326 : i32 to index
        %swap3A_419 = arith.constant 96 : index
        %swap3A_420 = tpu.vector_load %arg6[%swap3A_417, %swap3A_418, %swap3A_419] {strides = array<i32>} : memref<7x16x1024xf32, #tpu.memory_space<vmem>>, vector<1x1x16xf32>,
        %swap3A_421 = vector.shape_cast %swap3A_420 : vector<1x1x16xf32> to vector<16xf32>
        %swap3A_422 = vector.shape_cast %mul3A_416 : vector<16xf32> to vector<1x1x16xf32>
        tpu.vector_store %arg6[%swap3A_417, %swap3A_418, %swap3A_419], %swap3A_422 {strides = array<i32>} : memref<7x16x1024xf32, #tpu.memory_space<vmem>>, vector<1x1x16xf32>,
        %get3A_423 = arith.index_cast %scan3A_263 : i32 to index
        %get3A_424 = arith.index_cast %scan3A_326 : i32 to index
        %get3A_425 = arith.constant 112 : index
        %get3A_426 = tpu.vector_load %arg6[%get3A_423, %get3A_424, %get3A_425] {strides = array<i32>} : memref<7x16x1024xf32, #tpu.memory_space<vmem>>, vector<1x1x16xf32>,
        %get3A_427 = vector.shape_cast %get3A_426 : vector<1x1x16xf32> to vector<16xf32>
        %mul3A_428 = arith.constant 3.200000e+01 : f32
        %mul3A_429 = vector.broadcast %mul3A_428 : f32 to vector<16xf32>
        %mul3A_430 = arith.mulf %get3A_427, %mul3A_429 : vector<16xf32>
        %swap3A_431 = arith.index_cast %scan3A_263 : i32 to index
        %swap3A_432 = arith.index_cast %scan3A_326 : i32 to index
        %swap3A_433 = arith.constant 112 : index
        %swap3A_434 = tpu.vector_load %arg6[%swap3A_431, %swap3A_432, %swap3A_433] {strides = array<i32>} : memref<7x16x1024xf32, #tpu.memory_space<vmem>>, vector<1x1x16xf32>,
        %swap3A_435 = vector.shape_cast %swap3A_434 : vector<1x1x16xf32> to vector<16xf32>
        %swap3A_436 = vector.shape_cast %mul3A_430 : vector<16xf32> to vector<1x1x16xf32>
        tpu.vector_store %arg6[%swap3A_431, %swap3A_432, %swap3A_433], %swap3A_436 {strides = array<i32>} : memref<7x16x1024xf32, #tpu.memory_space<vmem>>, vector<1x1x16xf32>,
        %get3A_437 = arith.index_cast %scan3A_263 : i32 to index
        %get3A_438 = arith.index_cast %scan3A_326 : i32 to index
        %get3A_439 = arith.constant 128 : index
        %get3A_440 = tpu.vector_load %arg6[%get3A_437, %get3A_438, %get3A_439] {strides = array<i32>} : memref<7x16x1024xf32, #tpu.memory_space<vmem>>, vector<1x1x16xf32>,
        %get3A_441 = vector.shape_cast %get3A_440 : vector<1x1x16xf32> to vector<16xf32>
        %mul3A_442 = arith.constant 3.200000e+01 : f32
        %mul3A_443 = vector.broadcast %mul3A_442 : f32 to vector<16xf32>
        %mul3A_444 = arith.mulf %get3A_441, %mul3A_443 : vector<16xf32>
        %swap3A_445 = arith.index_cast %scan3A_263 : i32 to index
        %swap3A_446 = arith.index_cast %scan3A_326 : i32 to index
        %swap3A_447 = arith.constant 128 : index
        %swap3A_448 = tpu.vector_load %arg6[%swap3A_445, %swap3A_446, %swap3A_447] {strides = array<i32>} : memref<7x16x1024xf32, #tpu.memory_space<vmem>>, vector<1x1x16xf32>,
        %swap3A_449 = vector.shape_cast %swap3A_448 : vector<1x1x16xf32> to vector<16xf32>
        %swap3A_450 = vector.shape_cast %mul3A_444 : vector<16xf32> to vector<1x1x16xf32>
        tpu.vector_store %arg6[%swap3A_445, %swap3A_446, %swap3A_447], %swap3A_450 {strides = array<i32>} : memref<7x16x1024xf32, #tpu.memory_space<vmem>>, vector<1x1x16xf32>,
        %get3A_451 = arith.index_cast %scan3A_263 : i32 to index
        %get3A_452 = arith.index_cast %scan3A_326 : i32 to index
        %get3A_453 = arith.constant 144 : index
        %get3A_454 = tpu.vector_load %arg6[%get3A_451, %get3A_452, %get3A_453] {strides = array<i32>} : memref<7x16x1024xf32, #tpu.memory_space<vmem>>, vector<1x1x16xf32>,
        %get3A_455 = vector.shape_cast %get3A_454 : vector<1x1x16xf32> to vector<16xf32>
        %mul3A_456 = arith.constant 3.200000e+01 : f32
        %mul3A_457 = vector.broadcast %mul3A_456 : f32 to vector<16xf32>
        %mul3A_458 = arith.mulf %get3A_455, %mul3A_457 : vector<16xf32>
        %swap3A_459 = arith.index_cast %scan3A_263 : i32 to index
        %swap3A_460 = arith.index_cast %scan3A_326 : i32 to index
        %swap3A_461 = arith.constant 144 : index
        %swap3A_462 = tpu.vector_load %arg6[%swap3A_459, %swap3A_460, %swap3A_461] {strides = array<i32>} : memref<7x16x1024xf32, #tpu.memory_space<vmem>>, vector<1x1x16xf32>,
        %swap3A_463 = vector.shape_cast %swap3A_462 : vector<1x1x16xf32> to vector<16xf32>
        %swap3A_464 = vector.shape_cast %mul3A_458 : vector<16xf32> to vector<1x1x16xf32>
        tpu.vector_store %arg6[%swap3A_459, %swap3A_460, %swap3A_461], %swap3A_464 {strides = array<i32>} : memref<7x16x1024xf32, #tpu.memory_space<vmem>>, vector<1x1x16xf32>,
        %get3A_465 = arith.index_cast %scan3A_263 : i32 to index
        %get3A_466 = arith.index_cast %scan3A_326 : i32 to index
        %get3A_467 = arith.constant 160 : index
        %get3A_468 = tpu.vector_load %arg6[%get3A_465, %get3A_466, %get3A_467] {strides = array<i32>} : memref<7x16x1024xf32, #tpu.memory_space<vmem>>, vector<1x1x16xf32>,
        %get3A_469 = vector.shape_cast %get3A_468 : vector<1x1x16xf32> to vector<16xf32>
        %mul3A_470 = arith.constant 3.200000e+01 : f32
        %mul3A_471 = vector.broadcast %mul3A_470 : f32 to vector<16xf32>
        %mul3A_472 = arith.mulf %get3A_469, %mul3A_471 : vector<16xf32>
        %swap3A_473 = arith.index_cast %scan3A_263 : i32 to index
        %swap3A_474 = arith.index_cast %scan3A_326 : i32 to index
        %swap3A_475 = arith.constant 160 : index
        %swap3A_476 = tpu.vector_load %arg6[%swap3A_473, %swap3A_474, %swap3A_475] {strides = array<i32>} : memref<7x16x1024xf32, #tpu.memory_space<vmem>>, vector<1x1x16xf32>,
        %swap3A_477 = vector.shape_cast %swap3A_476 : vector<1x1x16xf32> to vector<16xf32>
        %swap3A_478 = vector.shape_cast %mul3A_472 : vector<16xf32> to vector<1x1x16xf32>
        tpu.vector_store %arg6[%swap3A_473, %swap3A_474, %swap3A_475], %swap3A_478 {strides = array<i32>} : memref<7x16x1024xf32, #tpu.memory_space<vmem>>, vector<1x1x16xf32>,
        %get3A_479 = arith.index_cast %scan3A_263 : i32 to index
        %get3A_480 = arith.index_cast %scan3A_326 : i32 to index
        %get3A_481 = arith.constant 176 : index
        %get3A_482 = tpu.vector_load %arg6[%get3A_479, %get3A_480, %get3A_481] {strides = array<i32>} : memref<7x16x1024xf32, #tpu.memory_space<vmem>>, vector<1x1x16xf32>,
        %get3A_483 = vector.shape_cast %get3A_482 : vector<1x1x16xf32> to vector<16xf32>
        %mul3A_484 = arith.constant 3.200000e+01 : f32
        %mul3A_485 = vector.broadcast %mul3A_484 : f32 to vector<16xf32>
        %mul3A_486 = arith.mulf %get3A_483, %mul3A_485 : vector<16xf32>
        %swap3A_487 = arith.index_cast %scan3A_263 : i32 to index
        %swap3A_488 = arith.index_cast %scan3A_326 : i32 to index
        %swap3A_489 = arith.constant 176 : index
        %swap3A_490 = tpu.vector_load %arg6[%swap3A_487, %swap3A_488, %swap3A_489] {strides = array<i32>} : memref<7x16x1024xf32, #tpu.memory_space<vmem>>, vector<1x1x16xf32>,
        %swap3A_491 = vector.shape_cast %swap3A_490 : vector<1x1x16xf32> to vector<16xf32>
        %swap3A_492 = vector.shape_cast %mul3A_486 : vector<16xf32> to vector<1x1x16xf32>
        tpu.vector_store %arg6[%swap3A_487, %swap3A_488, %swap3A_489], %swap3A_492 {strides = array<i32>} : memref<7x16x1024xf32, #tpu.memory_space<vmem>>, vector<1x1x16xf32>,
        %get3A_493 = arith.index_cast %scan3A_263 : i32 to index
        %get3A_494 = arith.index_cast %scan3A_326 : i32 to index
        %get3A_495 = arith.constant 192 : index
        %get3A_496 = tpu.vector_load %arg6[%get3A_493, %get3A_494, %get3A_495] {strides = array<i32>} : memref<7x16x1024xf32, #tpu.memory_space<vmem>>, vector<1x1x16xf32>,
        %get3A_497 = vector.shape_cast %get3A_496 : vector<1x1x16xf32> to vector<16xf32>
        %mul3A_498 = arith.constant 3.200000e+01 : f32
        %mul3A_499 = vector.broadcast %mul3A_498 : f32 to vector<16xf32>
        %mul3A_500 = arith.mulf %get3A_497, %mul3A_499 : vector<16xf32>
        %swap3A_501 = arith.index_cast %scan3A_263 : i32 to index
        %swap3A_502 = arith.index_cast %scan3A_326 : i32 to index
        %swap3A_503 = arith.constant 192 : index
        %swap3A_504 = tpu.vector_load %arg6[%swap3A_501, %swap3A_502, %swap3A_503] {strides = array<i32>} : memref<7x16x1024xf32, #tpu.memory_space<vmem>>, vector<1x1x16xf32>,
        %swap3A_505 = vector.shape_cast %swap3A_504 : vector<1x1x16xf32> to vector<16xf32>
        %swap3A_506 = vector.shape_cast %mul3A_500 : vector<16xf32> to vector<1x1x16xf32>
        tpu.vector_store %arg6[%swap3A_501, %swap3A_502, %swap3A_503], %swap3A_506 {strides = array<i32>} : memref<7x16x1024xf32, #tpu.memory_space<vmem>>, vector<1x1x16xf32>,
        %get3A_507 = arith.index_cast %scan3A_263 : i32 to index
        %get3A_508 = arith.index_cast %scan3A_326 : i32 to index
        %get3A_509 = arith.constant 208 : index
        %get3A_510 = tpu.vector_load %arg6[%get3A_507, %get3A_508, %get3A_509] {strides = array<i32>} : memref<7x16x1024xf32, #tpu.memory_space<vmem>>, vector<1x1x16xf32>,
        %get3A_511 = vector.shape_cast %get3A_510 : vector<1x1x16xf32> to vector<16xf32>
        %mul3A_512 = arith.constant 3.200000e+01 : f32
        %mul3A_513 = vector.broadcast %mul3A_512 : f32 to vector<16xf32>
        %mul3A_514 = arith.mulf %get3A_511, %mul3A_513 : vector<16xf32>
        %swap3A_515 = arith.index_cast %scan3A_263 : i32 to index
        %swap3A_516 = arith.index_cast %scan3A_326 : i32 to index
        %swap3A_517 = arith.constant 208 : index
        %swap3A_518 = tpu.vector_load %arg6[%swap3A_515, %swap3A_516, %swap3A_517] {strides = array<i32>} : memref<7x16x1024xf32, #tpu.memory_space<vmem>>, vector<1x1x16xf32>,
        %swap3A_519 = vector.shape_cast %swap3A_518 : vector<1x1x16xf32> to vector<16xf32>
        %swap3A_520 = vector.shape_cast %mul3A_514 : vector<16xf32> to vector<1x1x16xf32>
        tpu.vector_store %arg6[%swap3A_515, %swap3A_516, %swap3A_517], %swap3A_520 {strides = array<i32>} : memref<7x16x1024xf32, #tpu.memory_space<vmem>>, vector<1x1x16xf32>,
        %get3A_521 = arith.index_cast %scan3A_263 : i32 to index
        %get3A_522 = arith.index_cast %scan3A_326 : i32 to index
        %get3A_523 = arith.constant 224 : index
        %get3A_524 = tpu.vector_load %arg6[%get3A_521, %get3A_522, %get3A_523] {strides = array<i32>} : memref<7x16x1024xf32, #tpu.memory_space<vmem>>, vector<1x1x16xf32>,
        %get3A_525 = vector.shape_cast %get3A_524 : vector<1x1x16xf32> to vector<16xf32>
        %mul3A_526 = arith.constant 3.200000e+01 : f32
        %mul3A_527 = vector.broadcast %mul3A_526 : f32 to vector<16xf32>
        %mul3A_528 = arith.mulf %get3A_525, %mul3A_527 : vector<16xf32>
        %swap3A_529 = arith.index_cast %scan3A_263 : i32 to index
        %swap3A_530 = arith.index_cast %scan3A_326 : i32 to index
        %swap3A_531 = arith.constant 224 : index
        %swap3A_532 = tpu.vector_load %arg6[%swap3A_529, %swap3A_530, %swap3A_531] {strides = array<i32>} : memref<7x16x1024xf32, #tpu.memory_space<vmem>>, vector<1x1x16xf32>,
        %swap3A_533 = vector.shape_cast %swap3A_532 : vector<1x1x16xf32> to vector<16xf32>
        %swap3A_534 = vector.shape_cast %mul3A_528 : vector<16xf32> to vector<1x1x16xf32>
        tpu.vector_store %arg6[%swap3A_529, %swap3A_530, %swap3A_531], %swap3A_534 {strides = array<i32>} : memref<7x16x1024xf32, #tpu.memory_space<vmem>>, vector<1x1x16xf32>,
        %get3A_535 = arith.index_cast %scan3A_263 : i32 to index
        %get3A_536 = arith.index_cast %scan3A_326 : i32 to index
        %get3A_537 = arith.constant 240 : index
        %get3A_538 = tpu.vector_load %arg6[%get3A_535, %get3A_536, %get3A_537] {strides = array<i32>} : memref<7x16x1024xf32, #tpu.memory_space<vmem>>, vector<1x1x16xf32>,
        %get3A_539 = vector.shape_cast %get3A_538 : vector<1x1x16xf32> to vector<16xf32>
        %mul3A_540 = arith.constant 3.200000e+01 : f32
        %mul3A_541 = vector.broadcast %mul3A_540 : f32 to vector<16xf32>
        %mul3A_542 = arith.mulf %get3A_539, %mul3A_541 : vector<16xf32>
        %swap3A_543 = arith.index_cast %scan3A_263 : i32 to index
        %swap3A_544 = arith.index_cast %scan3A_326 : i32 to index
        %swap3A_545 = arith.constant 240 : index
        %swap3A_546 = tpu.vector_load %arg6[%swap3A_543, %swap3A_544, %swap3A_545] {strides = array<i32>} : memref<7x16x1024xf32, #tpu.memory_space<vmem>>, vector<1x1x16xf32>,
        %swap3A_547 = vector.shape_cast %swap3A_546 : vector<1x1x16xf32> to vector<16xf32>
        %swap3A_548 = vector.shape_cast %mul3A_542 : vector<16xf32> to vector<1x1x16xf32>
        tpu.vector_store %arg6[%swap3A_543, %swap3A_544, %swap3A_545], %swap3A_548 {strides = array<i32>} : memref<7x16x1024xf32, #tpu.memory_space<vmem>>, vector<1x1x16xf32>,
        %get3A_549 = arith.index_cast %scan3A_263 : i32 to index
        %get3A_550 = arith.index_cast %scan3A_326 : i32 to index
        %get3A_551 = arith.constant 256 : index
        %get3A_552 = tpu.vector_load %arg6[%get3A_549, %get3A_550, %get3A_551] {strides = array<i32>} : memref<7x16x1024xf32, #tpu.memory_space<vmem>>, vector<1x1x16xf32>,
        %get3A_553 = vector.shape_cast %get3A_552 : vector<1x1x16xf32> to vector<16xf32>
        %mul3A_554 = arith.constant 3.200000e+01 : f32
        %mul3A_555 = vector.broadcast %mul3A_554 : f32 to vector<16xf32>
        %mul3A_556 = arith.mulf %get3A_553, %mul3A_555 : vector<16xf32>
        %swap3A_557 = arith.index_cast %scan3A_263 : i32 to index
        %swap3A_558 = arith.index_cast %scan3A_326 : i32 to index
        %swap3A_559 = arith.constant 256 : index
        %swap3A_560 = tpu.vector_load %arg6[%swap3A_557, %swap3A_558, %swap3A_559] {strides = array<i32>} : memref<7x16x1024xf32, #tpu.memory_space<vmem>>, vector<1x1x16xf32>,
        %swap3A_561 = vector.shape_cast %swap3A_560 : vector<1x1x16xf32> to vector<16xf32>
        %swap3A_562 = vector.shape_cast %mul3A_556 : vector<16xf32> to vector<1x1x16xf32>
        tpu.vector_store %arg6[%swap3A_557, %swap3A_558, %swap3A_559], %swap3A_562 {strides = array<i32>} : memref<7x16x1024xf32, #tpu.memory_space<vmem>>, vector<1x1x16xf32>,
        %get3A_563 = arith.index_cast %scan3A_263 : i32 to index
        %get3A_564 = arith.index_cast %scan3A_326 : i32 to index
        %get3A_565 = arith.constant 272 : index
        %get3A_566 = tpu.vector_load %arg6[%get3A_563, %get3A_564, %get3A_565] {strides = array<i32>} : memref<7x16x1024xf32, #tpu.memory_space<vmem>>, vector<1x1x16xf32>,
        %get3A_567 = vector.shape_cast %get3A_566 : vector<1x1x16xf32> to vector<16xf32>
        %mul3A_568 = arith.constant 3.200000e+01 : f32
        %mul3A_569 = vector.broadcast %mul3A_568 : f32 to vector<16xf32>
        %mul3A_570 = arith.mulf %get3A_567, %mul3A_569 : vector<16xf32>
        %swap3A_571 = arith.index_cast %scan3A_263 : i32 to index
        %swap3A_572 = arith.index_cast %scan3A_326 : i32 to index
        %swap3A_573 = arith.constant 272 : index
        %swap3A_574 = tpu.vector_load %arg6[%swap3A_571, %swap3A_572, %swap3A_573] {strides = array<i32>} : memref<7x16x1024xf32, #tpu.memory_space<vmem>>, vector<1x1x16xf32>,
        %swap3A_575 = vector.shape_cast %swap3A_574 : vector<1x1x16xf32> to vector<16xf32>
        %swap3A_576 = vector.shape_cast %mul3A_570 : vector<16xf32> to vector<1x1x16xf32>
        tpu.vector_store %arg6[%swap3A_571, %swap3A_572, %swap3A_573], %swap3A_576 {strides = array<i32>} : memref<7x16x1024xf32, #tpu.memory_space<vmem>>, vector<1x1x16xf32>,
        %get3A_577 = arith.index_cast %scan3A_263 : i32 to index
        %get3A_578 = arith.index_cast %scan3A_326 : i32 to index
        %get3A_579 = arith.constant 288 : index
        %get3A_580 = tpu.vector_load %arg6[%get3A_577, %get3A_578, %get3A_579] {strides = array<i32>} : memref<7x16x1024xf32, #tpu.memory_space<vmem>>, vector<1x1x16xf32>,
        %get3A_581 = vector.shape_cast %get3A_580 : vector<1x1x16xf32> to vector<16xf32>
        %mul3A_582 = arith.constant 3.200000e+01 : f32
        %mul3A_583 = vector.broadcast %mul3A_582 : f32 to vector<16xf32>
        %mul3A_584 = arith.mulf %get3A_581, %mul3A_583 : vector<16xf32>
        %swap3A_585 = arith.index_cast %scan3A_263 : i32 to index
        %swap3A_586 = arith.index_cast %scan3A_326 : i32 to index
        %swap3A_587 = arith.constant 288 : index
        %swap3A_588 = tpu.vector_load %arg6[%swap3A_585, %swap3A_586, %swap3A_587] {strides = array<i32>} : memref<7x16x1024xf32, #tpu.memory_space<vmem>>, vector<1x1x16xf32>,
        %swap3A_589 = vector.shape_cast %swap3A_588 : vector<1x1x16xf32> to vector<16xf32>
        %swap3A_590 = vector.shape_cast %mul3A_584 : vector<16xf32> to vector<1x1x16xf32>
        tpu.vector_store %arg6[%swap3A_585, %swap3A_586, %swap3A_587], %swap3A_590 {strides = array<i32>} : memref<7x16x1024xf32, #tpu.memory_space<vmem>>, vector<1x1x16xf32>,
        %get3A_591 = arith.index_cast %scan3A_263 : i32 to index
        %get3A_592 = arith.index_cast %scan3A_326 : i32 to index
        %get3A_593 = arith.constant 304 : index
        %get3A_594 = tpu.vector_load %arg6[%get3A_591, %get3A_592, %get3A_593] {strides = array<i32>} : memref<7x16x1024xf32, #tpu.memory_space<vmem>>, vector<1x1x16xf32>,
        %get3A_595 = vector.shape_cast %get3A_594 : vector<1x1x16xf32> to vector<16xf32>
        %mul3A_596 = arith.constant 3.200000e+01 : f32
        %mul3A_597 = vector.broadcast %mul3A_596 : f32 to vector<16xf32>
        %mul3A_598 = arith.mulf %get3A_595, %mul3A_597 : vector<16xf32>
        %swap3A_599 = arith.index_cast %scan3A_263 : i32 to index
        %swap3A_600 = arith.index_cast %scan3A_326 : i32 to index
        %swap3A_601 = arith.constant 304 : index
        %swap3A_602 = tpu.vector_load %arg6[%swap3A_599, %swap3A_600, %swap3A_601] {strides = array<i32>} : memref<7x16x1024xf32, #tpu.memory_space<vmem>>, vector<1x1x16xf32>,
        %swap3A_603 = vector.shape_cast %swap3A_602 : vector<1x1x16xf32> to vector<16xf32>
        %swap3A_604 = vector.shape_cast %mul3A_598 : vector<16xf32> to vector<1x1x16xf32>
        tpu.vector_store %arg6[%swap3A_599, %swap3A_600, %swap3A_601], %swap3A_604 {strides = array<i32>} : memref<7x16x1024xf32, #tpu.memory_space<vmem>>, vector<1x1x16xf32>,
        %get3A_605 = arith.index_cast %scan3A_263 : i32 to index
        %get3A_606 = arith.index_cast %scan3A_326 : i32 to index
        %get3A_607 = arith.constant 320 : index
        %get3A_608 = tpu.vector_load %arg6[%get3A_605, %get3A_606, %get3A_607] {strides = array<i32>} : memref<7x16x1024xf32, #tpu.memory_space<vmem>>, vector<1x1x16xf32>,
        %get3A_609 = vector.shape_cast %get3A_608 : vector<1x1x16xf32> to vector<16xf32>
        %mul3A_610 = arith.constant 3.200000e+01 : f32
        %mul3A_611 = vector.broadcast %mul3A_610 : f32 to vector<16xf32>
        %mul3A_612 = arith.mulf %get3A_609, %mul3A_611 : vector<16xf32>
        %swap3A_613 = arith.index_cast %scan3A_263 : i32 to index
        %swap3A_614 = arith.index_cast %scan3A_326 : i32 to index
        %swap3A_615 = arith.constant 320 : index
        %swap3A_616 = tpu.vector_load %arg6[%swap3A_613, %swap3A_614, %swap3A_615] {strides = array<i32>} : memref<7x16x1024xf32, #tpu.memory_space<vmem>>, vector<1x1x16xf32>,
        %swap3A_617 = vector.shape_cast %swap3A_616 : vector<1x1x16xf32> to vector<16xf32>
        %swap3A_618 = vector.shape_cast %mul3A_612 : vector<16xf32> to vector<1x1x16xf32>
        tpu.vector_store %arg6[%swap3A_613, %swap3A_614, %swap3A_615], %swap3A_618 {strides = array<i32>} : memref<7x16x1024xf32, #tpu.memory_space<vmem>>, vector<1x1x16xf32>,
        %get3A_619 = arith.index_cast %scan3A_263 : i32 to index
        %get3A_620 = arith.index_cast %scan3A_326 : i32 to index
        %get3A_621 = arith.constant 336 : index
        %get3A_622 = tpu.vector_load %arg6[%get3A_619, %get3A_620, %get3A_621] {strides = array<i32>} : memref<7x16x1024xf32, #tpu.memory_space<vmem>>, vector<1x1x16xf32>,
        %get3A_623 = vector.shape_cast %get3A_622 : vector<1x1x16xf32> to vector<16xf32>
        %mul3A_624 = arith.constant 3.200000e+01 : f32
        %mul3A_625 = vector.broadcast %mul3A_624 : f32 to vector<16xf32>
        %mul3A_626 = arith.mulf %get3A_623, %mul3A_625 : vector<16xf32>
        %swap3A_627 = arith.index_cast %scan3A_263 : i32 to index
        %swap3A_628 = arith.index_cast %scan3A_326 : i32 to index
        %swap3A_629 = arith.constant 336 : index
        %swap3A_630 = tpu.vector_load %arg6[%swap3A_627, %swap3A_628, %swap3A_629] {strides = array<i32>} : memref<7x16x1024xf32, #tpu.memory_space<vmem>>, vector<1x1x16xf32>,
        %swap3A_631 = vector.shape_cast %swap3A_630 : vector<1x1x16xf32> to vector<16xf32>
        %swap3A_632 = vector.shape_cast %mul3A_626 : vector<16xf32> to vector<1x1x16xf32>
        tpu.vector_store %arg6[%swap3A_627, %swap3A_628, %swap3A_629], %swap3A_632 {strides = array<i32>} : memref<7x16x1024xf32, #tpu.memory_space<vmem>>, vector<1x1x16xf32>,
        %get3A_633 = arith.index_cast %scan3A_263 : i32 to index
        %get3A_634 = arith.index_cast %scan3A_326 : i32 to index
        %get3A_635 = arith.constant 352 : index
        %get3A_636 = tpu.vector_load %arg6[%get3A_633, %get3A_634, %get3A_635] {strides = array<i32>} : memref<7x16x1024xf32, #tpu.memory_space<vmem>>, vector<1x1x16xf32>,
        %get3A_637 = vector.shape_cast %get3A_636 : vector<1x1x16xf32> to vector<16xf32>
        %mul3A_638 = arith.constant 3.200000e+01 : f32
        %mul3A_639 = vector.broadcast %mul3A_638 : f32 to vector<16xf32>
        %mul3A_640 = arith.mulf %get3A_637, %mul3A_639 : vector<16xf32>
        %swap3A_641 = arith.index_cast %scan3A_263 : i32 to index
        %swap3A_642 = arith.index_cast %scan3A_326 : i32 to index
        %swap3A_643 = arith.constant 352 : index
        %swap3A_644 = tpu.vector_load %arg6[%swap3A_641, %swap3A_642, %swap3A_643] {strides = array<i32>} : memref<7x16x1024xf32, #tpu.memory_space<vmem>>, vector<1x1x16xf32>,
        %swap3A_645 = vector.shape_cast %swap3A_644 : vector<1x1x16xf32> to vector<16xf32>
        %swap3A_646 = vector.shape_cast %mul3A_640 : vector<16xf32> to vector<1x1x16xf32>
        tpu.vector_store %arg6[%swap3A_641, %swap3A_642, %swap3A_643], %swap3A_646 {strides = array<i32>} : memref<7x16x1024xf32, #tpu.memory_space<vmem>>, vector<1x1x16xf32>,
        %get3A_647 = arith.index_cast %scan3A_263 : i32 to index
        %get3A_648 = arith.index_cast %scan3A_326 : i32 to index
        %get3A_649 = arith.constant 368 : index
        %get3A_650 = tpu.vector_load %arg6[%get3A_647, %get3A_648, %get3A_649] {strides = array<i32>} : memref<7x16x1024xf32, #tpu.memory_space<vmem>>, vector<1x1x16xf32>,
        %get3A_651 = vector.shape_cast %get3A_650 : vector<1x1x16xf32> to vector<16xf32>
        %mul3A_652 = arith.constant 3.200000e+01 : f32
        %mul3A_653 = vector.broadcast %mul3A_652 : f32 to vector<16xf32>
        %mul3A_654 = arith.mulf %get3A_651, %mul3A_653 : vector<16xf32>
        %swap3A_655 = arith.index_cast %scan3A_263 : i32 to index
        %swap3A_656 = arith.index_cast %scan3A_326 : i32 to index
        %swap3A_657 = arith.constant 368 : index
        %swap3A_658 = tpu.vector_load %arg6[%swap3A_655, %swap3A_656, %swap3A_657] {strides = array<i32>} : memref<7x16x1024xf32, #tpu.memory_space<vmem>>, vector<1x1x16xf32>,
        %swap3A_659 = vector.shape_cast %swap3A_658 : vector<1x1x16xf32> to vector<16xf32>
        %swap3A_660 = vector.shape_cast %mul3A_654 : vector<16xf32> to vector<1x1x16xf32>
        tpu.vector_store %arg6[%swap3A_655, %swap3A_656, %swap3A_657], %swap3A_660 {strides = array<i32>} : memref<7x16x1024xf32, #tpu.memory_space<vmem>>, vector<1x1x16xf32>,
        %get3A_661 = arith.index_cast %scan3A_263 : i32 to index
        %get3A_662 = arith.index_cast %scan3A_326 : i32 to index
        %get3A_663 = arith.constant 384 : index
        %get3A_664 = tpu.vector_load %arg6[%get3A_661, %get3A_662, %get3A_663] {strides = array<i32>} : memref<7x16x1024xf32, #tpu.memory_space<vmem>>, vector<1x1x16xf32>,
        %get3A_665 = vector.shape_cast %get3A_664 : vector<1x1x16xf32> to vector<16xf32>
        %mul3A_666 = arith.constant 3.200000e+01 : f32
        %mul3A_667 = vector.broadcast %mul3A_666 : f32 to vector<16xf32>
        %mul3A_668 = arith.mulf %get3A_665, %mul3A_667 : vector<16xf32>
        %swap3A_669 = arith.index_cast %scan3A_263 : i32 to index
        %swap3A_670 = arith.index_cast %scan3A_326 : i32 to index
        %swap3A_671 = arith.constant 384 : index
        %swap3A_672 = tpu.vector_load %arg6[%swap3A_669, %swap3A_670, %swap3A_671] {strides = array<i32>} : memref<7x16x1024xf32, #tpu.memory_space<vmem>>, vector<1x1x16xf32>,
        %swap3A_673 = vector.shape_cast %swap3A_672 : vector<1x1x16xf32> to vector<16xf32>
        %swap3A_674 = vector.shape_cast %mul3A_668 : vector<16xf32> to vector<1x1x16xf32>
        tpu.vector_store %arg6[%swap3A_669, %swap3A_670, %swap3A_671], %swap3A_674 {strides = array<i32>} : memref<7x16x1024xf32, #tpu.memory_space<vmem>>, vector<1x1x16xf32>,
        %get3A_675 = arith.index_cast %scan3A_263 : i32 to index
        %get3A_676 = arith.index_cast %scan3A_326 : i32 to index
        %get3A_677 = arith.constant 400 : index
        %get3A_678 = tpu.vector_load %arg6[%get3A_675, %get3A_676, %get3A_677] {strides = array<i32>} : memref<7x16x1024xf32, #tpu.memory_space<vmem>>, vector<1x1x16xf32>,
        %get3A_679 = vector.shape_cast %get3A_678 : vector<1x1x16xf32> to vector<16xf32>
        %mul3A_680 = arith.constant 3.200000e+01 : f32
        %mul3A_681 = vector.broadcast %mul3A_680 : f32 to vector<16xf32>
        %mul3A_682 = arith.mulf %get3A_679, %mul3A_681 : vector<16xf32>
        %swap3A_683 = arith.index_cast %scan3A_263 : i32 to index
        %swap3A_684 = arith.index_cast %scan3A_326 : i32 to index
        %swap3A_685 = arith.constant 400 : index
        %swap3A_686 = tpu.vector_load %arg6[%swap3A_683, %swap3A_684, %swap3A_685] {strides = array<i32>} : memref<7x16x1024xf32, #tpu.memory_space<vmem>>, vector<1x1x16xf32>,
        %swap3A_687 = vector.shape_cast %swap3A_686 : vector<1x1x16xf32> to vector<16xf32>
        %swap3A_688 = vector.shape_cast %mul3A_682 : vector<16xf32> to vector<1x1x16xf32>
        tpu.vector_store %arg6[%swap3A_683, %swap3A_684, %swap3A_685], %swap3A_688 {strides = array<i32>} : memref<7x16x1024xf32, #tpu.memory_space<vmem>>, vector<1x1x16xf32>,
        %get3A_689 = arith.index_cast %scan3A_263 : i32 to index
        %get3A_690 = arith.index_cast %scan3A_326 : i32 to index
        %get3A_691 = arith.constant 416 : index
        %get3A_692 = tpu.vector_load %arg6[%get3A_689, %get3A_690, %get3A_691] {strides = array<i32>} : memref<7x16x1024xf32, #tpu.memory_space<vmem>>, vector<1x1x16xf32>,
        %get3A_693 = vector.shape_cast %get3A_692 : vector<1x1x16xf32> to vector<16xf32>
        %mul3A_694 = arith.constant 3.200000e+01 : f32
        %mul3A_695 = vector.broadcast %mul3A_694 : f32 to vector<16xf32>
        %mul3A_696 = arith.mulf %get3A_693, %mul3A_695 : vector<16xf32>
        %swap3A_697 = arith.index_cast %scan3A_263 : i32 to index
        %swap3A_698 = arith.index_cast %scan3A_326 : i32 to index
        %swap3A_699 = arith.constant 416 : index
        %swap3A_700 = tpu.vector_load %arg6[%swap3A_697, %swap3A_698, %swap3A_699] {strides = array<i32>} : memref<7x16x1024xf32, #tpu.memory_space<vmem>>, vector<1x1x16xf32>,
        %swap3A_701 = vector.shape_cast %swap3A_700 : vector<1x1x16xf32> to vector<16xf32>
        %swap3A_702 = vector.shape_cast %mul3A_696 : vector<16xf32> to vector<1x1x16xf32>
        tpu.vector_store %arg6[%swap3A_697, %swap3A_698, %swap3A_699], %swap3A_702 {strides = array<i32>} : memref<7x16x1024xf32, #tpu.memory_space<vmem>>, vector<1x1x16xf32>,
        %get3A_703 = arith.index_cast %scan3A_263 : i32 to index
        %get3A_704 = arith.index_cast %scan3A_326 : i32 to index
        %get3A_705 = arith.constant 432 : index
        %get3A_706 = tpu.vector_load %arg6[%get3A_703, %get3A_704, %get3A_705] {strides = array<i32>} : memref<7x16x1024xf32, #tpu.memory_space<vmem>>, vector<1x1x16xf32>,
        %get3A_707 = vector.shape_cast %get3A_706 : vector<1x1x16xf32> to vector<16xf32>
        %mul3A_708 = arith.constant 3.200000e+01 : f32
        %mul3A_709 = vector.broadcast %mul3A_708 : f32 to vector<16xf32>
        %mul3A_710 = arith.mulf %get3A_707, %mul3A_709 : vector<16xf32>
        %swap3A_711 = arith.index_cast %scan3A_263 : i32 to index
        %swap3A_712 = arith.index_cast %scan3A_326 : i32 to index
        %swap3A_713 = arith.constant 432 : index
        %swap3A_714 = tpu.vector_load %arg6[%swap3A_711, %swap3A_712, %swap3A_713] {strides = array<i32>} : memref<7x16x1024xf32, #tpu.memory_space<vmem>>, vector<1x1x16xf32>,
        %swap3A_715 = vector.shape_cast %swap3A_714 : vector<1x1x16xf32> to vector<16xf32>
        %swap3A_716 = vector.shape_cast %mul3A_710 : vector<16xf32> to vector<1x1x16xf32>
        tpu.vector_store %arg6[%swap3A_711, %swap3A_712, %swap3A_713], %swap3A_716 {strides = array<i32>} : memref<7x16x1024xf32, #tpu.memory_space<vmem>>, vector<1x1x16xf32>,
        %get3A_717 = arith.index_cast %scan3A_263 : i32 to index
        %get3A_718 = arith.index_cast %scan3A_326 : i32 to index
        %get3A_719 = arith.constant 448 : index
        %get3A_720 = tpu.vector_load %arg6[%get3A_717, %get3A_718, %get3A_719] {strides = array<i32>} : memref<7x16x1024xf32, #tpu.memory_space<vmem>>, vector<1x1x16xf32>,
        %get3A_721 = vector.shape_cast %get3A_720 : vector<1x1x16xf32> to vector<16xf32>
        %mul3A_722 = arith.constant 3.200000e+01 : f32
        %mul3A_723 = vector.broadcast %mul3A_722 : f32 to vector<16xf32>
        %mul3A_724 = arith.mulf %get3A_721, %mul3A_723 : vector<16xf32>
        %swap3A_725 = arith.index_cast %scan3A_263 : i32 to index
        %swap3A_726 = arith.index_cast %scan3A_326 : i32 to index
        %swap3A_727 = arith.constant 448 : index
        %swap3A_728 = tpu.vector_load %arg6[%swap3A_725, %swap3A_726, %swap3A_727] {strides = array<i32>} : memref<7x16x1024xf32, #tpu.memory_space<vmem>>, vector<1x1x16xf32>,
        %swap3A_729 = vector.shape_cast %swap3A_728 : vector<1x1x16xf32> to vector<16xf32>
        %swap3A_730 = vector.shape_cast %mul3A_724 : vector<16xf32> to vector<1x1x16xf32>
        tpu.vector_store %arg6[%swap3A_725, %swap3A_726, %swap3A_727], %swap3A_730 {strides = array<i32>} : memref<7x16x1024xf32, #tpu.memory_space<vmem>>, vector<1x1x16xf32>,
        %get3A_731 = arith.index_cast %scan3A_263 : i32 to index
        %get3A_732 = arith.index_cast %scan3A_326 : i32 to index
        %get3A_733 = arith.constant 464 : index
        %get3A_734 = tpu.vector_load %arg6[%get3A_731, %get3A_732, %get3A_733] {strides = array<i32>} : memref<7x16x1024xf32, #tpu.memory_space<vmem>>, vector<1x1x16xf32>,
        %get3A_735 = vector.shape_cast %get3A_734 : vector<1x1x16xf32> to vector<16xf32>
        %mul3A_736 = arith.constant 3.200000e+01 : f32
        %mul3A_737 = vector.broadcast %mul3A_736 : f32 to vector<16xf32>
        %mul3A_738 = arith.mulf %get3A_735, %mul3A_737 : vector<16xf32>
        %swap3A_739 = arith.index_cast %scan3A_263 : i32 to index
        %swap3A_740 = arith.index_cast %scan3A_326 : i32 to index
        %swap3A_741 = arith.constant 464 : index
        %swap3A_742 = tpu.vector_load %arg6[%swap3A_739, %swap3A_740, %swap3A_741] {strides = array<i32>} : memref<7x16x1024xf32, #tpu.memory_space<vmem>>, vector<1x1x16xf32>,
        %swap3A_743 = vector.shape_cast %swap3A_742 : vector<1x1x16xf32> to vector<16xf32>
        %swap3A_744 = vector.shape_cast %mul3A_738 : vector<16xf32> to vector<1x1x16xf32>
        tpu.vector_store %arg6[%swap3A_739, %swap3A_740, %swap3A_741], %swap3A_744 {strides = array<i32>} : memref<7x16x1024xf32, #tpu.memory_space<vmem>>, vector<1x1x16xf32>,
        %get3A_745 = arith.index_cast %scan3A_263 : i32 to index
        %get3A_746 = arith.index_cast %scan3A_326 : i32 to index
        %get3A_747 = arith.constant 480 : index
        %get3A_748 = tpu.vector_load %arg6[%get3A_745, %get3A_746, %get3A_747] {strides = array<i32>} : memref<7x16x1024xf32, #tpu.memory_space<vmem>>, vector<1x1x16xf32>,
        %get3A_749 = vector.shape_cast %get3A_748 : vector<1x1x16xf32> to vector<16xf32>
        %mul3A_750 = arith.constant 3.200000e+01 : f32
        %mul3A_751 = vector.broadcast %mul3A_750 : f32 to vector<16xf32>
        %mul3A_752 = arith.mulf %get3A_749, %mul3A_751 : vector<16xf32>
        %swap3A_753 = arith.index_cast %scan3A_263 : i32 to index
        %swap3A_754 = arith.index_cast %scan3A_326 : i32 to index
        %swap3A_755 = arith.constant 480 : index
        %swap3A_756 = tpu.vector_load %arg6[%swap3A_753, %swap3A_754, %swap3A_755] {strides = array<i32>} : memref<7x16x1024xf32, #tpu.memory_space<vmem>>, vector<1x1x16xf32>,
        %swap3A_757 = vector.shape_cast %swap3A_756 : vector<1x1x16xf32> to vector<16xf32>
        %swap3A_758 = vector.shape_cast %mul3A_752 : vector<16xf32> to vector<1x1x16xf32>
        tpu.vector_store %arg6[%swap3A_753, %swap3A_754, %swap3A_755], %swap3A_758 {strides = array<i32>} : memref<7x16x1024xf32, #tpu.memory_space<vmem>>, vector<1x1x16xf32>,
        %get3A_759 = arith.index_cast %scan3A_263 : i32 to index
        %get3A_760 = arith.index_cast %scan3A_326 : i32 to index
        %get3A_761 = arith.constant 496 : index
        %get3A_762 = tpu.vector_load %arg6[%get3A_759, %get3A_760, %get3A_761] {strides = array<i32>} : memref<7x16x1024xf32, #tpu.memory_space<vmem>>, vector<1x1x16xf32>,
        %get3A_763 = vector.shape_cast %get3A_762 : vector<1x1x16xf32> to vector<16xf32>
        %mul3A_764 = arith.constant 3.200000e+01 : f32
        %mul3A_765 = vector.broadcast %mul3A_764 : f32 to vector<16xf32>
        %mul3A_766 = arith.mulf %get3A_763, %mul3A_765 : vector<16xf32>
        %swap3A_767 = arith.index_cast %scan3A_263 : i32 to index
        %swap3A_768 = arith.index_cast %scan3A_326 : i32 to index
        %swap3A_769 = arith.constant 496 : index
        %swap3A_770 = tpu.vector_load %arg6[%swap3A_767, %swap3A_768, %swap3A_769] {strides = array<i32>} : memref<7x16x1024xf32, #tpu.memory_space<vmem>>, vector<1x1x16xf32>,
        %swap3A_771 = vector.shape_cast %swap3A_770 : vector<1x1x16xf32> to vector<16xf32>
        %swap3A_772 = vector.shape_cast %mul3A_766 : vector<16xf32> to vector<1x1x16xf32>
        tpu.vector_store %arg6[%swap3A_767, %swap3A_768, %swap3A_769], %swap3A_772 {strides = array<i32>} : memref<7x16x1024xf32, #tpu.memory_space<vmem>>, vector<1x1x16xf32>,
        %get3A_773 = arith.index_cast %scan3A_263 : i32 to index
        %get3A_774 = arith.index_cast %scan3A_326 : i32 to index
        %get3A_775 = arith.constant 512 : index
        %get3A_776 = tpu.vector_load %arg6[%get3A_773, %get3A_774, %get3A_775] {strides = array<i32>} : memref<7x16x1024xf32, #tpu.memory_space<vmem>>, vector<1x1x16xf32>,
        %get3A_777 = vector.shape_cast %get3A_776 : vector<1x1x16xf32> to vector<16xf32>
        %mul3A_778 = arith.constant 3.200000e+01 : f32
        %mul3A_779 = vector.broadcast %mul3A_778 : f32 to vector<16xf32>
        %mul3A_780 = arith.mulf %get3A_777, %mul3A_779 : vector<16xf32>
        %swap3A_781 = arith.index_cast %scan3A_263 : i32 to index
        %swap3A_782 = arith.index_cast %scan3A_326 : i32 to index
        %swap3A_783 = arith.constant 512 : index
        %swap3A_784 = tpu.vector_load %arg6[%swap3A_781, %swap3A_782, %swap3A_783] {strides = array<i32>} : memref<7x16x1024xf32, #tpu.memory_space<vmem>>, vector<1x1x16xf32>,
        %swap3A_785 = vector.shape_cast %swap3A_784 : vector<1x1x16xf32> to vector<16xf32>
        %swap3A_786 = vector.shape_cast %mul3A_780 : vector<16xf32> to vector<1x1x16xf32>
        tpu.vector_store %arg6[%swap3A_781, %swap3A_782, %swap3A_783], %swap3A_786 {strides = array<i32>} : memref<7x16x1024xf32, #tpu.memory_space<vmem>>, vector<1x1x16xf32>,
        %get3A_787 = arith.index_cast %scan3A_263 : i32 to index
        %get3A_788 = arith.index_cast %scan3A_326 : i32 to index
        %get3A_789 = arith.constant 528 : index
        %get3A_790 = tpu.vector_load %arg6[%get3A_787, %get3A_788, %get3A_789] {strides = array<i32>} : memref<7x16x1024xf32, #tpu.memory_space<vmem>>, vector<1x1x16xf32>,
        %get3A_791 = vector.shape_cast %get3A_790 : vector<1x1x16xf32> to vector<16xf32>
        %mul3A_792 = arith.constant 3.200000e+01 : f32
        %mul3A_793 = vector.broadcast %mul3A_792 : f32 to vector<16xf32>
        %mul3A_794 = arith.mulf %get3A_791, %mul3A_793 : vector<16xf32>
        %swap3A_795 = arith.index_cast %scan3A_263 : i32 to index
        %swap3A_796 = arith.index_cast %scan3A_326 : i32 to index
        %swap3A_797 = arith.constant 528 : index
        %swap3A_798 = tpu.vector_load %arg6[%swap3A_795, %swap3A_796, %swap3A_797] {strides = array<i32>} : memref<7x16x1024xf32, #tpu.memory_space<vmem>>, vector<1x1x16xf32>,
        %swap3A_799 = vector.shape_cast %swap3A_798 : vector<1x1x16xf32> to vector<16xf32>
        %swap3A_800 = vector.shape_cast %mul3A_794 : vector<16xf32> to vector<1x1x16xf32>
        tpu.vector_store %arg6[%swap3A_795, %swap3A_796, %swap3A_797], %swap3A_800 {strides = array<i32>} : memref<7x16x1024xf32, #tpu.memory_space<vmem>>, vector<1x1x16xf32>,
        %get3A_801 = arith.index_cast %scan3A_263 : i32 to index
        %get3A_802 = arith.index_cast %scan3A_326 : i32 to index
        %get3A_803 = arith.constant 544 : index
        %get3A_804 = tpu.vector_load %arg6[%get3A_801, %get3A_802, %get3A_803] {strides = array<i32>} : memref<7x16x1024xf32, #tpu.memory_space<vmem>>, vector<1x1x16xf32>,
        %get3A_805 = vector.shape_cast %get3A_804 : vector<1x1x16xf32> to vector<16xf32>
        %mul3A_806 = arith.constant 3.200000e+01 : f32
        %mul3A_807 = vector.broadcast %mul3A_806 : f32 to vector<16xf32>
        %mul3A_808 = arith.mulf %get3A_805, %mul3A_807 : vector<16xf32>
        %swap3A_809 = arith.index_cast %scan3A_263 : i32 to index
        %swap3A_810 = arith.index_cast %scan3A_326 : i32 to index
        %swap3A_811 = arith.constant 544 : index
        %swap3A_812 = tpu.vector_load %arg6[%swap3A_809, %swap3A_810, %swap3A_811] {strides = array<i32>} : memref<7x16x1024xf32, #tpu.memory_space<vmem>>, vector<1x1x16xf32>,
        %swap3A_813 = vector.shape_cast %swap3A_812 : vector<1x1x16xf32> to vector<16xf32>
        %swap3A_814 = vector.shape_cast %mul3A_808 : vector<16xf32> to vector<1x1x16xf32>
        tpu.vector_store %arg6[%swap3A_809, %swap3A_810, %swap3A_811], %swap3A_814 {strides = array<i32>} : memref<7x16x1024xf32, #tpu.memory_space<vmem>>, vector<1x1x16xf32>,
        %get3A_815 = arith.index_cast %scan3A_263 : i32 to index
        %get3A_816 = arith.index_cast %scan3A_326 : i32 to index
        %get3A_817 = arith.constant 560 : index
        %get3A_818 = tpu.vector_load %arg6[%get3A_815, %get3A_816, %get3A_817] {strides = array<i32>} : memref<7x16x1024xf32, #tpu.memory_space<vmem>>, vector<1x1x16xf32>,
        %get3A_819 = vector.shape_cast %get3A_818 : vector<1x1x16xf32> to vector<16xf32>
        %mul3A_820 = arith.constant 3.200000e+01 : f32
        %mul3A_821 = vector.broadcast %mul3A_820 : f32 to vector<16xf32>
        %mul3A_822 = arith.mulf %get3A_819, %mul3A_821 : vector<16xf32>
        %swap3A_823 = arith.index_cast %scan3A_263 : i32 to index
        %swap3A_824 = arith.index_cast %scan3A_326 : i32 to index
        %swap3A_825 = arith.constant 560 : index
        %swap3A_826 = tpu.vector_load %arg6[%swap3A_823, %swap3A_824, %swap3A_825] {strides = array<i32>} : memref<7x16x1024xf32, #tpu.memory_space<vmem>>, vector<1x1x16xf32>,
        %swap3A_827 = vector.shape_cast %swap3A_826 : vector<1x1x16xf32> to vector<16xf32>
        %swap3A_828 = vector.shape_cast %mul3A_822 : vector<16xf32> to vector<1x1x16xf32>
        tpu.vector_store %arg6[%swap3A_823, %swap3A_824, %swap3A_825], %swap3A_828 {strides = array<i32>} : memref<7x16x1024xf32, #tpu.memory_space<vmem>>, vector<1x1x16xf32>,
        %get3A_829 = arith.index_cast %scan3A_263 : i32 to index
        %get3A_830 = arith.index_cast %scan3A_326 : i32 to index
        %get3A_831 = arith.constant 576 : index
        %get3A_832 = tpu.vector_load %arg6[%get3A_829, %get3A_830, %get3A_831] {strides = array<i32>} : memref<7x16x1024xf32, #tpu.memory_space<vmem>>, vector<1x1x16xf32>,
        %get3A_833 = vector.shape_cast %get3A_832 : vector<1x1x16xf32> to vector<16xf32>
        %mul3A_834 = arith.constant 3.200000e+01 : f32
        %mul3A_835 = vector.broadcast %mul3A_834 : f32 to vector<16xf32>
        %mul3A_836 = arith.mulf %get3A_833, %mul3A_835 : vector<16xf32>
        %swap3A_837 = arith.index_cast %scan3A_263 : i32 to index
        %swap3A_838 = arith.index_cast %scan3A_326 : i32 to index
        %swap3A_839 = arith.constant 576 : index
        %swap3A_840 = tpu.vector_load %arg6[%swap3A_837, %swap3A_838, %swap3A_839] {strides = array<i32>} : memref<7x16x1024xf32, #tpu.memory_space<vmem>>, vector<1x1x16xf32>,
        %swap3A_841 = vector.shape_cast %swap3A_840 : vector<1x1x16xf32> to vector<16xf32>
        %swap3A_842 = vector.shape_cast %mul3A_836 : vector<16xf32> to vector<1x1x16xf32>
        tpu.vector_store %arg6[%swap3A_837, %swap3A_838, %swap3A_839], %swap3A_842 {strides = array<i32>} : memref<7x16x1024xf32, #tpu.memory_space<vmem>>, vector<1x1x16xf32>,
        %get3A_843 = arith.index_cast %scan3A_263 : i32 to index
        %get3A_844 = arith.index_cast %scan3A_326 : i32 to index
        %get3A_845 = arith.constant 592 : index
        %get3A_846 = tpu.vector_load %arg6[%get3A_843, %get3A_844, %get3A_845] {strides = array<i32>} : memref<7x16x1024xf32, #tpu.memory_space<vmem>>, vector<1x1x16xf32>,
        %get3A_847 = vector.shape_cast %get3A_846 : vector<1x1x16xf32> to vector<16xf32>
        %mul3A_848 = arith.constant 3.200000e+01 : f32
        %mul3A_849 = vector.broadcast %mul3A_848 : f32 to vector<16xf32>
        %mul3A_850 = arith.mulf %get3A_847, %mul3A_849 : vector<16xf32>
        %swap3A_851 = arith.index_cast %scan3A_263 : i32 to index
        %swap3A_852 = arith.index_cast %scan3A_326 : i32 to index
        %swap3A_853 = arith.constant 592 : index
        %swap3A_854 = tpu.vector_load %arg6[%swap3A_851, %swap3A_852, %swap3A_853] {strides = array<i32>} : memref<7x16x1024xf32, #tpu.memory_space<vmem>>, vector<1x1x16xf32>,
        %swap3A_855 = vector.shape_cast %swap3A_854 : vector<1x1x16xf32> to vector<16xf32>
        %swap3A_856 = vector.shape_cast %mul3A_850 : vector<16xf32> to vector<1x1x16xf32>
        tpu.vector_store %arg6[%swap3A_851, %swap3A_852, %swap3A_853], %swap3A_856 {strides = array<i32>} : memref<7x16x1024xf32, #tpu.memory_space<vmem>>, vector<1x1x16xf32>,
        %get3A_857 = arith.index_cast %scan3A_263 : i32 to index
        %get3A_858 = arith.index_cast %scan3A_326 : i32 to index
        %get3A_859 = arith.constant 608 : index
        %get3A_860 = tpu.vector_load %arg6[%get3A_857, %get3A_858, %get3A_859] {strides = array<i32>} : memref<7x16x1024xf32, #tpu.memory_space<vmem>>, vector<1x1x16xf32>,
        %get3A_861 = vector.shape_cast %get3A_860 : vector<1x1x16xf32> to vector<16xf32>
        %mul3A_862 = arith.constant 3.200000e+01 : f32
        %mul3A_863 = vector.broadcast %mul3A_862 : f32 to vector<16xf32>
        %mul3A_864 = arith.mulf %get3A_861, %mul3A_863 : vector<16xf32>
        %swap3A_865 = arith.index_cast %scan3A_263 : i32 to index
        %swap3A_866 = arith.index_cast %scan3A_326 : i32 to index
        %swap3A_867 = arith.constant 608 : index
        %swap3A_868 = tpu.vector_load %arg6[%swap3A_865, %swap3A_866, %swap3A_867] {strides = array<i32>} : memref<7x16x1024xf32, #tpu.memory_space<vmem>>, vector<1x1x16xf32>,
        %swap3A_869 = vector.shape_cast %swap3A_868 : vector<1x1x16xf32> to vector<16xf32>
        %swap3A_870 = vector.shape_cast %mul3A_864 : vector<16xf32> to vector<1x1x16xf32>
        tpu.vector_store %arg6[%swap3A_865, %swap3A_866, %swap3A_867], %swap3A_870 {strides = array<i32>} : memref<7x16x1024xf32, #tpu.memory_space<vmem>>, vector<1x1x16xf32>,
        %get3A_871 = arith.index_cast %scan3A_263 : i32 to index
        %get3A_872 = arith.index_cast %scan3A_326 : i32 to index
        %get3A_873 = arith.constant 624 : index
        %get3A_874 = tpu.vector_load %arg6[%get3A_871, %get3A_872, %get3A_873] {strides = array<i32>} : memref<7x16x1024xf32, #tpu.memory_space<vmem>>, vector<1x1x16xf32>,
        %get3A_875 = vector.shape_cast %get3A_874 : vector<1x1x16xf32> to vector<16xf32>
        %mul3A_876 = arith.constant 3.200000e+01 : f32
        %mul3A_877 = vector.broadcast %mul3A_876 : f32 to vector<16xf32>
        %mul3A_878 = arith.mulf %get3A_875, %mul3A_877 : vector<16xf32>
        %swap3A_879 = arith.index_cast %scan3A_263 : i32 to index
        %swap3A_880 = arith.index_cast %scan3A_326 : i32 to index
        %swap3A_881 = arith.constant 624 : index
        %swap3A_882 = tpu.vector_load %arg6[%swap3A_879, %swap3A_880, %swap3A_881] {strides = array<i32>} : memref<7x16x1024xf32, #tpu.memory_space<vmem>>, vector<1x1x16xf32>,
        %swap3A_883 = vector.shape_cast %swap3A_882 : vector<1x1x16xf32> to vector<16xf32>
        %swap3A_884 = vector.shape_cast %mul3A_878 : vector<16xf32> to vector<1x1x16xf32>
        tpu.vector_store %arg6[%swap3A_879, %swap3A_880, %swap3A_881], %swap3A_884 {strides = array<i32>} : memref<7x16x1024xf32, #tpu.memory_space<vmem>>, vector<1x1x16xf32>,
        %get3A_885 = arith.index_cast %scan3A_263 : i32 to index
        %get3A_886 = arith.index_cast %scan3A_326 : i32 to index
        %get3A_887 = arith.constant 640 : index
        %get3A_888 = tpu.vector_load %arg6[%get3A_885, %get3A_886, %get3A_887] {strides = array<i32>} : memref<7x16x1024xf32, #tpu.memory_space<vmem>>, vector<1x1x16xf32>,
        %get3A_889 = vector.shape_cast %get3A_888 : vector<1x1x16xf32> to vector<16xf32>
        %mul3A_890 = arith.constant 3.200000e+01 : f32
        %mul3A_891 = vector.broadcast %mul3A_890 : f32 to vector<16xf32>
        %mul3A_892 = arith.mulf %get3A_889, %mul3A_891 : vector<16xf32>
        %swap3A_893 = arith.index_cast %scan3A_263 : i32 to index
        %swap3A_894 = arith.index_cast %scan3A_326 : i32 to index
        %swap3A_895 = arith.constant 640 : index
        %swap3A_896 = tpu.vector_load %arg6[%swap3A_893, %swap3A_894, %swap3A_895] {strides = array<i32>} : memref<7x16x1024xf32, #tpu.memory_space<vmem>>, vector<1x1x16xf32>,
        %swap3A_897 = vector.shape_cast %swap3A_896 : vector<1x1x16xf32> to vector<16xf32>
        %swap3A_898 = vector.shape_cast %mul3A_892 : vector<16xf32> to vector<1x1x16xf32>
        tpu.vector_store %arg6[%swap3A_893, %swap3A_894, %swap3A_895], %swap3A_898 {strides = array<i32>} : memref<7x16x1024xf32, #tpu.memory_space<vmem>>, vector<1x1x16xf32>,
        %get3A_899 = arith.index_cast %scan3A_263 : i32 to index
        %get3A_900 = arith.index_cast %scan3A_326 : i32 to index
        %get3A_901 = arith.constant 656 : index
        %get3A_902 = tpu.vector_load %arg6[%get3A_899, %get3A_900, %get3A_901] {strides = array<i32>} : memref<7x16x1024xf32, #tpu.memory_space<vmem>>, vector<1x1x16xf32>,
        %get3A_903 = vector.shape_cast %get3A_902 : vector<1x1x16xf32> to vector<16xf32>
        %mul3A_904 = arith.constant 3.200000e+01 : f32
        %mul3A_905 = vector.broadcast %mul3A_904 : f32 to vector<16xf32>
        %mul3A_906 = arith.mulf %get3A_903, %mul3A_905 : vector<16xf32>
        %swap3A_907 = arith.index_cast %scan3A_263 : i32 to index
        %swap3A_908 = arith.index_cast %scan3A_326 : i32 to index
        %swap3A_909 = arith.constant 656 : index
        %swap3A_910 = tpu.vector_load %arg6[%swap3A_907, %swap3A_908, %swap3A_909] {strides = array<i32>} : memref<7x16x1024xf32, #tpu.memory_space<vmem>>, vector<1x1x16xf32>,
        %swap3A_911 = vector.shape_cast %swap3A_910 : vector<1x1x16xf32> to vector<16xf32>
        %swap3A_912 = vector.shape_cast %mul3A_906 : vector<16xf32> to vector<1x1x16xf32>
        tpu.vector_store %arg6[%swap3A_907, %swap3A_908, %swap3A_909], %swap3A_912 {strides = array<i32>} : memref<7x16x1024xf32, #tpu.memory_space<vmem>>, vector<1x1x16xf32>,
        %get3A_913 = arith.index_cast %scan3A_263 : i32 to index
        %get3A_914 = arith.index_cast %scan3A_326 : i32 to index
        %get3A_915 = arith.constant 672 : index
        %get3A_916 = tpu.vector_load %arg6[%get3A_913, %get3A_914, %get3A_915] {strides = array<i32>} : memref<7x16x1024xf32, #tpu.memory_space<vmem>>, vector<1x1x16xf32>,
        %get3A_917 = vector.shape_cast %get3A_916 : vector<1x1x16xf32> to vector<16xf32>
        %mul3A_918 = arith.constant 3.200000e+01 : f32
        %mul3A_919 = vector.broadcast %mul3A_918 : f32 to vector<16xf32>
        %mul3A_920 = arith.mulf %get3A_917, %mul3A_919 : vector<16xf32>
        %swap3A_921 = arith.index_cast %scan3A_263 : i32 to index
        %swap3A_922 = arith.index_cast %scan3A_326 : i32 to index
        %swap3A_923 = arith.constant 672 : index
        %swap3A_924 = tpu.vector_load %arg6[%swap3A_921, %swap3A_922, %swap3A_923] {strides = array<i32>} : memref<7x16x1024xf32, #tpu.memory_space<vmem>>, vector<1x1x16xf32>,
        %swap3A_925 = vector.shape_cast %swap3A_924 : vector<1x1x16xf32> to vector<16xf32>
        %swap3A_926 = vector.shape_cast %mul3A_920 : vector<16xf32> to vector<1x1x16xf32>
        tpu.vector_store %arg6[%swap3A_921, %swap3A_922, %swap3A_923], %swap3A_926 {strides = array<i32>} : memref<7x16x1024xf32, #tpu.memory_space<vmem>>, vector<1x1x16xf32>,
        %get3A_927 = arith.index_cast %scan3A_263 : i32 to index
        %get3A_928 = arith.index_cast %scan3A_326 : i32 to index
        %get3A_929 = arith.constant 688 : index
        %get3A_930 = tpu.vector_load %arg6[%get3A_927, %get3A_928, %get3A_929] {strides = array<i32>} : memref<7x16x1024xf32, #tpu.memory_space<vmem>>, vector<1x1x16xf32>,
        %get3A_931 = vector.shape_cast %get3A_930 : vector<1x1x16xf32> to vector<16xf32>
        %mul3A_932 = arith.constant 3.200000e+01 : f32
        %mul3A_933 = vector.broadcast %mul3A_932 : f32 to vector<16xf32>
        %mul3A_934 = arith.mulf %get3A_931, %mul3A_933 : vector<16xf32>
        %swap3A_935 = arith.index_cast %scan3A_263 : i32 to index
        %swap3A_936 = arith.index_cast %scan3A_326 : i32 to index
        %swap3A_937 = arith.constant 688 : index
        %swap3A_938 = tpu.vector_load %arg6[%swap3A_935, %swap3A_936, %swap3A_937] {strides = array<i32>} : memref<7x16x1024xf32, #tpu.memory_space<vmem>>, vector<1x1x16xf32>,
        %swap3A_939 = vector.shape_cast %swap3A_938 : vector<1x1x16xf32> to vector<16xf32>
        %swap3A_940 = vector.shape_cast %mul3A_934 : vector<16xf32> to vector<1x1x16xf32>
        tpu.vector_store %arg6[%swap3A_935, %swap3A_936, %swap3A_937], %swap3A_940 {strides = array<i32>} : memref<7x16x1024xf32, #tpu.memory_space<vmem>>, vector<1x1x16xf32>,
        %get3A_941 = arith.index_cast %scan3A_263 : i32 to index
        %get3A_942 = arith.index_cast %scan3A_326 : i32 to index
        %get3A_943 = arith.constant 704 : index
        %get3A_944 = tpu.vector_load %arg6[%get3A_941, %get3A_942, %get3A_943] {strides = array<i32>} : memref<7x16x1024xf32, #tpu.memory_space<vmem>>, vector<1x1x16xf32>,
        %get3A_945 = vector.shape_cast %get3A_944 : vector<1x1x16xf32> to vector<16xf32>
        %mul3A_946 = arith.constant 3.200000e+01 : f32
        %mul3A_947 = vector.broadcast %mul3A_946 : f32 to vector<16xf32>
        %mul3A_948 = arith.mulf %get3A_945, %mul3A_947 : vector<16xf32>
        %swap3A_949 = arith.index_cast %scan3A_263 : i32 to index
        %swap3A_950 = arith.index_cast %scan3A_326 : i32 to index
        %swap3A_951 = arith.constant 704 : index
        %swap3A_952 = tpu.vector_load %arg6[%swap3A_949, %swap3A_950, %swap3A_951] {strides = array<i32>} : memref<7x16x1024xf32, #tpu.memory_space<vmem>>, vector<1x1x16xf32>,
        %swap3A_953 = vector.shape_cast %swap3A_952 : vector<1x1x16xf32> to vector<16xf32>
        %swap3A_954 = vector.shape_cast %mul3A_948 : vector<16xf32> to vector<1x1x16xf32>
        tpu.vector_store %arg6[%swap3A_949, %swap3A_950, %swap3A_951], %swap3A_954 {strides = array<i32>} : memref<7x16x1024xf32, #tpu.memory_space<vmem>>, vector<1x1x16xf32>,
        %get3A_955 = arith.index_cast %scan3A_263 : i32 to index
        %get3A_956 = arith.index_cast %scan3A_326 : i32 to index
        %get3A_957 = arith.constant 720 : index
        %get3A_958 = tpu.vector_load %arg6[%get3A_955, %get3A_956, %get3A_957] {strides = array<i32>} : memref<7x16x1024xf32, #tpu.memory_space<vmem>>, vector<1x1x16xf32>,
        %get3A_959 = vector.shape_cast %get3A_958 : vector<1x1x16xf32> to vector<16xf32>
        %mul3A_960 = arith.constant 3.200000e+01 : f32
        %mul3A_961 = vector.broadcast %mul3A_960 : f32 to vector<16xf32>
        %mul3A_962 = arith.mulf %get3A_959, %mul3A_961 : vector<16xf32>
        %swap3A_963 = arith.index_cast %scan3A_263 : i32 to index
        %swap3A_964 = arith.index_cast %scan3A_326 : i32 to index
        %swap3A_965 = arith.constant 720 : index
        %swap3A_966 = tpu.vector_load %arg6[%swap3A_963, %swap3A_964, %swap3A_965] {strides = array<i32>} : memref<7x16x1024xf32, #tpu.memory_space<vmem>>, vector<1x1x16xf32>,
        %swap3A_967 = vector.shape_cast %swap3A_966 : vector<1x1x16xf32> to vector<16xf32>
        %swap3A_968 = vector.shape_cast %mul3A_962 : vector<16xf32> to vector<1x1x16xf32>
        tpu.vector_store %arg6[%swap3A_963, %swap3A_964, %swap3A_965], %swap3A_968 {strides = array<i32>} : memref<7x16x1024xf32, #tpu.memory_space<vmem>>, vector<1x1x16xf32>,
        %get3A_969 = arith.index_cast %scan3A_263 : i32 to index
        %get3A_970 = arith.index_cast %scan3A_326 : i32 to index
        %get3A_971 = arith.constant 736 : index
        %get3A_972 = tpu.vector_load %arg6[%get3A_969, %get3A_970, %get3A_971] {strides = array<i32>} : memref<7x16x1024xf32, #tpu.memory_space<vmem>>, vector<1x1x16xf32>,
        %get3A_973 = vector.shape_cast %get3A_972 : vector<1x1x16xf32> to vector<16xf32>
        %mul3A_974 = arith.constant 3.200000e+01 : f32
        %mul3A_975 = vector.broadcast %mul3A_974 : f32 to vector<16xf32>
        %mul3A_976 = arith.mulf %get3A_973, %mul3A_975 : vector<16xf32>
        %swap3A_977 = arith.index_cast %scan3A_263 : i32 to index
        %swap3A_978 = arith.index_cast %scan3A_326 : i32 to index
        %swap3A_979 = arith.constant 736 : index
        %swap3A_980 = tpu.vector_load %arg6[%swap3A_977, %swap3A_978, %swap3A_979] {strides = array<i32>} : memref<7x16x1024xf32, #tpu.memory_space<vmem>>, vector<1x1x16xf32>,
        %swap3A_981 = vector.shape_cast %swap3A_980 : vector<1x1x16xf32> to vector<16xf32>
        %swap3A_982 = vector.shape_cast %mul3A_976 : vector<16xf32> to vector<1x1x16xf32>
        tpu.vector_store %arg6[%swap3A_977, %swap3A_978, %swap3A_979], %swap3A_982 {strides = array<i32>} : memref<7x16x1024xf32, #tpu.memory_space<vmem>>, vector<1x1x16xf32>,
        %get3A_983 = arith.index_cast %scan3A_263 : i32 to index
        %get3A_984 = arith.index_cast %scan3A_326 : i32 to index
        %get3A_985 = arith.constant 752 : index
        %get3A_986 = tpu.vector_load %arg6[%get3A_983, %get3A_984, %get3A_985] {strides = array<i32>} : memref<7x16x1024xf32, #tpu.memory_space<vmem>>, vector<1x1x16xf32>,
        %get3A_987 = vector.shape_cast %get3A_986 : vector<1x1x16xf32> to vector<16xf32>
        %mul3A_988 = arith.constant 3.200000e+01 : f32
        %mul3A_989 = vector.broadcast %mul3A_988 : f32 to vector<16xf32>
        %mul3A_990 = arith.mulf %get3A_987, %mul3A_989 : vector<16xf32>
        %swap3A_991 = arith.index_cast %scan3A_263 : i32 to index
        %swap3A_992 = arith.index_cast %scan3A_326 : i32 to index
        %swap3A_993 = arith.constant 752 : index
        %swap3A_994 = tpu.vector_load %arg6[%swap3A_991, %swap3A_992, %swap3A_993] {strides = array<i32>} : memref<7x16x1024xf32, #tpu.memory_space<vmem>>, vector<1x1x16xf32>,
        %swap3A_995 = vector.shape_cast %swap3A_994 : vector<1x1x16xf32> to vector<16xf32>
        %swap3A_996 = vector.shape_cast %mul3A_990 : vector<16xf32> to vector<1x1x16xf32>
        tpu.vector_store %arg6[%swap3A_991, %swap3A_992, %swap3A_993], %swap3A_996 {strides = array<i32>} : memref<7x16x1024xf32, #tpu.memory_space<vmem>>, vector<1x1x16xf32>,
        %get3A_997 = arith.index_cast %scan3A_263 : i32 to index
        %get3A_998 = arith.index_cast %scan3A_326 : i32 to index
        %get3A_999 = arith.constant 768 : index
        %get3A_1000 = tpu.vector_load %arg6[%get3A_997, %get3A_998, %get3A_999] {strides = array<i32>} : memref<7x16x1024xf32, #tpu.memory_space<vmem>>, vector<1x1x16xf32>,
        %get3A_1001 = vector.shape_cast %get3A_1000 : vector<1x1x16xf32> to vector<16xf32>
        %mul3A_1002 = arith.constant 3.200000e+01 : f32
        %mul3A_1003 = vector.broadcast %mul3A_1002 : f32 to vector<16xf32>
        %mul3A_1004 = arith.mulf %get3A_1001, %mul3A_1003 : vector<16xf32>
        %swap3A_1005 = arith.index_cast %scan3A_263 : i32 to index
        %swap3A_1006 = arith.index_cast %scan3A_326 : i32 to index
        %swap3A_1007 = arith.constant 768 : index
        %swap3A_1008 = tpu.vector_load %arg6[%swap3A_1005, %swap3A_1006, %swap3A_1007] {strides = array<i32>} : memref<7x16x1024xf32, #tpu.memory_space<vmem>>, vector<1x1x16xf32>,
        %swap3A_1009 = vector.shape_cast %swap3A_1008 : vector<1x1x16xf32> to vector<16xf32>
        %swap3A_1010 = vector.shape_cast %mul3A_1004 : vector<16xf32> to vector<1x1x16xf32>
        tpu.vector_store %arg6[%swap3A_1005, %swap3A_1006, %swap3A_1007], %swap3A_1010 {strides = array<i32>} : memref<7x16x1024xf32, #tpu.memory_space<vmem>>, vector<1x1x16xf32>,
        %get3A_1011 = arith.index_cast %scan3A_263 : i32 to index
        %get3A_1012 = arith.index_cast %scan3A_326 : i32 to index
        %get3A_1013 = arith.constant 784 : index
        %get3A_1014 = tpu.vector_load %arg6[%get3A_1011, %get3A_1012, %get3A_1013] {strides = array<i32>} : memref<7x16x1024xf32, #tpu.memory_space<vmem>>, vector<1x1x16xf32>,
        %get3A_1015 = vector.shape_cast %get3A_1014 : vector<1x1x16xf32> to vector<16xf32>
        %mul3A_1016 = arith.constant 3.200000e+01 : f32
        %mul3A_1017 = vector.broadcast %mul3A_1016 : f32 to vector<16xf32>
        %mul3A_1018 = arith.mulf %get3A_1015, %mul3A_1017 : vector<16xf32>
        %swap3A_1019 = arith.index_cast %scan3A_263 : i32 to index
        %swap3A_1020 = arith.index_cast %scan3A_326 : i32 to index
        %swap3A_1021 = arith.constant 784 : index
        %swap3A_1022 = tpu.vector_load %arg6[%swap3A_1019, %swap3A_1020, %swap3A_1021] {strides = array<i32>} : memref<7x16x1024xf32, #tpu.memory_space<vmem>>, vector<1x1x16xf32>,
        %swap3A_1023 = vector.shape_cast %swap3A_1022 : vector<1x1x16xf32> to vector<16xf32>
        %swap3A_1024 = vector.shape_cast %mul3A_1018 : vector<16xf32> to vector<1x1x16xf32>
        tpu.vector_store %arg6[%swap3A_1019, %swap3A_1020, %swap3A_1021], %swap3A_1024 {strides = array<i32>} : memref<7x16x1024xf32, #tpu.memory_space<vmem>>, vector<1x1x16xf32>,
        %get3A_1025 = arith.index_cast %scan3A_263 : i32 to index
        %get3A_1026 = arith.index_cast %scan3A_326 : i32 to index
        %get3A_1027 = arith.constant 800 : index
        %get3A_1028 = tpu.vector_load %arg6[%get3A_1025, %get3A_1026, %get3A_1027] {strides = array<i32>} : memref<7x16x1024xf32, #tpu.memory_space<vmem>>, vector<1x1x16xf32>,
        %get3A_1029 = vector.shape_cast %get3A_1028 : vector<1x1x16xf32> to vector<16xf32>
        %mul3A_1030 = arith.constant 3.200000e+01 : f32
        %mul3A_1031 = vector.broadcast %mul3A_1030 : f32 to vector<16xf32>
        %mul3A_1032 = arith.mulf %get3A_1029, %mul3A_1031 : vector<16xf32>
        %swap3A_1033 = arith.index_cast %scan3A_263 : i32 to index
        %swap3A_1034 = arith.index_cast %scan3A_326 : i32 to index
        %swap3A_1035 = arith.constant 800 : index
        %swap3A_1036 = tpu.vector_load %arg6[%swap3A_1033, %swap3A_1034, %swap3A_1035] {strides = array<i32>} : memref<7x16x1024xf32, #tpu.memory_space<vmem>>, vector<1x1x16xf32>,
        %swap3A_1037 = vector.shape_cast %swap3A_1036 : vector<1x1x16xf32> to vector<16xf32>
        %swap3A_1038 = vector.shape_cast %mul3A_1032 : vector<16xf32> to vector<1x1x16xf32>
        tpu.vector_store %arg6[%swap3A_1033, %swap3A_1034, %swap3A_1035], %swap3A_1038 {strides = array<i32>} : memref<7x16x1024xf32, #tpu.memory_space<vmem>>, vector<1x1x16xf32>,
        %get3A_1039 = arith.index_cast %scan3A_263 : i32 to index
        %get3A_1040 = arith.index_cast %scan3A_326 : i32 to index
        %get3A_1041 = arith.constant 816 : index
        %get3A_1042 = tpu.vector_load %arg6[%get3A_1039, %get3A_1040, %get3A_1041] {strides = array<i32>} : memref<7x16x1024xf32, #tpu.memory_space<vmem>>, vector<1x1x16xf32>,
        %get3A_1043 = vector.shape_cast %get3A_1042 : vector<1x1x16xf32> to vector<16xf32>
        %mul3A_1044 = arith.constant 3.200000e+01 : f32
        %mul3A_1045 = vector.broadcast %mul3A_1044 : f32 to vector<16xf32>
        %mul3A_1046 = arith.mulf %get3A_1043, %mul3A_1045 : vector<16xf32>
        %swap3A_1047 = arith.index_cast %scan3A_263 : i32 to index
        %swap3A_1048 = arith.index_cast %scan3A_326 : i32 to index
        %swap3A_1049 = arith.constant 816 : index
        %swap3A_1050 = tpu.vector_load %arg6[%swap3A_1047, %swap3A_1048, %swap3A_1049] {strides = array<i32>} : memref<7x16x1024xf32, #tpu.memory_space<vmem>>, vector<1x1x16xf32>,
        %swap3A_1051 = vector.shape_cast %swap3A_1050 : vector<1x1x16xf32> to vector<16xf32>
        %swap3A_1052 = vector.shape_cast %mul3A_1046 : vector<16xf32> to vector<1x1x16xf32>
        tpu.vector_store %arg6[%swap3A_1047, %swap3A_1048, %swap3A_1049], %swap3A_1052 {strides = array<i32>} : memref<7x16x1024xf32, #tpu.memory_space<vmem>>, vector<1x1x16xf32>,
        %get3A_1053 = arith.index_cast %scan3A_263 : i32 to index
        %get3A_1054 = arith.index_cast %scan3A_326 : i32 to index
        %get3A_1055 = arith.constant 832 : index
        %get3A_1056 = tpu.vector_load %arg6[%get3A_1053, %get3A_1054, %get3A_1055] {strides = array<i32>} : memref<7x16x1024xf32, #tpu.memory_space<vmem>>, vector<1x1x16xf32>,
        %get3A_1057 = vector.shape_cast %get3A_1056 : vector<1x1x16xf32> to vector<16xf32>
        %mul3A_1058 = arith.constant 3.200000e+01 : f32
        %mul3A_1059 = vector.broadcast %mul3A_1058 : f32 to vector<16xf32>
        %mul3A_1060 = arith.mulf %get3A_1057, %mul3A_1059 : vector<16xf32>
        %swap3A_1061 = arith.index_cast %scan3A_263 : i32 to index
        %swap3A_1062 = arith.index_cast %scan3A_326 : i32 to index
        %swap3A_1063 = arith.constant 832 : index
        %swap3A_1064 = tpu.vector_load %arg6[%swap3A_1061, %swap3A_1062, %swap3A_1063] {strides = array<i32>} : memref<7x16x1024xf32, #tpu.memory_space<vmem>>, vector<1x1x16xf32>,
        %swap3A_1065 = vector.shape_cast %swap3A_1064 : vector<1x1x16xf32> to vector<16xf32>
        %swap3A_1066 = vector.shape_cast %mul3A_1060 : vector<16xf32> to vector<1x1x16xf32>
        tpu.vector_store %arg6[%swap3A_1061, %swap3A_1062, %swap3A_1063], %swap3A_1066 {strides = array<i32>} : memref<7x16x1024xf32, #tpu.memory_space<vmem>>, vector<1x1x16xf32>,
        %get3A_1067 = arith.index_cast %scan3A_263 : i32 to index
        %get3A_1068 = arith.index_cast %scan3A_326 : i32 to index
        %get3A_1069 = arith.constant 848 : index
        %get3A_1070 = tpu.vector_load %arg6[%get3A_1067, %get3A_1068, %get3A_1069] {strides = array<i32>} : memref<7x16x1024xf32, #tpu.memory_space<vmem>>, vector<1x1x16xf32>,
        %get3A_1071 = vector.shape_cast %get3A_1070 : vector<1x1x16xf32> to vector<16xf32>
        %mul3A_1072 = arith.constant 3.200000e+01 : f32
        %mul3A_1073 = vector.broadcast %mul3A_1072 : f32 to vector<16xf32>
        %mul3A_1074 = arith.mulf %get3A_1071, %mul3A_1073 : vector<16xf32>
        %swap3A_1075 = arith.index_cast %scan3A_263 : i32 to index
        %swap3A_1076 = arith.index_cast %scan3A_326 : i32 to index
        %swap3A_1077 = arith.constant 848 : index
        %swap3A_1078 = tpu.vector_load %arg6[%swap3A_1075, %swap3A_1076, %swap3A_1077] {strides = array<i32>} : memref<7x16x1024xf32, #tpu.memory_space<vmem>>, vector<1x1x16xf32>,
        %swap3A_1079 = vector.shape_cast %swap3A_1078 : vector<1x1x16xf32> to vector<16xf32>
        %swap3A_1080 = vector.shape_cast %mul3A_1074 : vector<16xf32> to vector<1x1x16xf32>
        tpu.vector_store %arg6[%swap3A_1075, %swap3A_1076, %swap3A_1077], %swap3A_1080 {strides = array<i32>} : memref<7x16x1024xf32, #tpu.memory_space<vmem>>, vector<1x1x16xf32>,
        %get3A_1081 = arith.index_cast %scan3A_263 : i32 to index
        %get3A_1082 = arith.index_cast %scan3A_326 : i32 to index
        %get3A_1083 = arith.constant 864 : index
        %get3A_1084 = tpu.vector_load %arg6[%get3A_1081, %get3A_1082, %get3A_1083] {strides = array<i32>} : memref<7x16x1024xf32, #tpu.memory_space<vmem>>, vector<1x1x16xf32>,
        %get3A_1085 = vector.shape_cast %get3A_1084 : vector<1x1x16xf32> to vector<16xf32>
        %mul3A_1086 = arith.constant 3.200000e+01 : f32
        %mul3A_1087 = vector.broadcast %mul3A_1086 : f32 to vector<16xf32>
        %mul3A_1088 = arith.mulf %get3A_1085, %mul3A_1087 : vector<16xf32>
        %swap3A_1089 = arith.index_cast %scan3A_263 : i32 to index
        %swap3A_1090 = arith.index_cast %scan3A_326 : i32 to index
        %swap3A_1091 = arith.constant 864 : index
        %swap3A_1092 = tpu.vector_load %arg6[%swap3A_1089, %swap3A_1090, %swap3A_1091] {strides = array<i32>} : memref<7x16x1024xf32, #tpu.memory_space<vmem>>, vector<1x1x16xf32>,
        %swap3A_1093 = vector.shape_cast %swap3A_1092 : vector<1x1x16xf32> to vector<16xf32>
        %swap3A_1094 = vector.shape_cast %mul3A_1088 : vector<16xf32> to vector<1x1x16xf32>
        tpu.vector_store %arg6[%swap3A_1089, %swap3A_1090, %swap3A_1091], %swap3A_1094 {strides = array<i32>} : memref<7x16x1024xf32, #tpu.memory_space<vmem>>, vector<1x1x16xf32>,
        %get3A_1095 = arith.index_cast %scan3A_263 : i32 to index
        %get3A_1096 = arith.index_cast %scan3A_326 : i32 to index
        %get3A_1097 = arith.constant 880 : index
        %get3A_1098 = tpu.vector_load %arg6[%get3A_1095, %get3A_1096, %get3A_1097] {strides = array<i32>} : memref<7x16x1024xf32, #tpu.memory_space<vmem>>, vector<1x1x16xf32>,
        %get3A_1099 = vector.shape_cast %get3A_1098 : vector<1x1x16xf32> to vector<16xf32>
        %mul3A_1100 = arith.constant 3.200000e+01 : f32
        %mul3A_1101 = vector.broadcast %mul3A_1100 : f32 to vector<16xf32>
        %mul3A_1102 = arith.mulf %get3A_1099, %mul3A_1101 : vector<16xf32>
        %swap3A_1103 = arith.index_cast %scan3A_263 : i32 to index
        %swap3A_1104 = arith.index_cast %scan3A_326 : i32 to index
        %swap3A_1105 = arith.constant 880 : index
        %swap3A_1106 = tpu.vector_load %arg6[%swap3A_1103, %swap3A_1104, %swap3A_1105] {strides = array<i32>} : memref<7x16x1024xf32, #tpu.memory_space<vmem>>, vector<1x1x16xf32>,
        %swap3A_1107 = vector.shape_cast %swap3A_1106 : vector<1x1x16xf32> to vector<16xf32>
        %swap3A_1108 = vector.shape_cast %mul3A_1102 : vector<16xf32> to vector<1x1x16xf32>
        tpu.vector_store %arg6[%swap3A_1103, %swap3A_1104, %swap3A_1105], %swap3A_1108 {strides = array<i32>} : memref<7x16x1024xf32, #tpu.memory_space<vmem>>, vector<1x1x16xf32>,
        %get3A_1109 = arith.index_cast %scan3A_263 : i32 to index
        %get3A_1110 = arith.index_cast %scan3A_326 : i32 to index
        %get3A_1111 = arith.constant 896 : index
        %get3A_1112 = tpu.vector_load %arg6[%get3A_1109, %get3A_1110, %get3A_1111] {strides = array<i32>} : memref<7x16x1024xf32, #tpu.memory_space<vmem>>, vector<1x1x16xf32>,
        %get3A_1113 = vector.shape_cast %get3A_1112 : vector<1x1x16xf32> to vector<16xf32>
        %mul3A_1114 = arith.constant 3.200000e+01 : f32
        %mul3A_1115 = vector.broadcast %mul3A_1114 : f32 to vector<16xf32>
        %mul3A_1116 = arith.mulf %get3A_1113, %mul3A_1115 : vector<16xf32>
        %swap3A_1117 = arith.index_cast %scan3A_263 : i32 to index
        %swap3A_1118 = arith.index_cast %scan3A_326 : i32 to index
        %swap3A_1119 = arith.constant 896 : index
        %swap3A_1120 = tpu.vector_load %arg6[%swap3A_1117, %swap3A_1118, %swap3A_1119] {strides = array<i32>} : memref<7x16x1024xf32, #tpu.memory_space<vmem>>, vector<1x1x16xf32>,
        %swap3A_1121 = vector.shape_cast %swap3A_1120 : vector<1x1x16xf32> to vector<16xf32>
        %swap3A_1122 = vector.shape_cast %mul3A_1116 : vector<16xf32> to vector<1x1x16xf32>
        tpu.vector_store %arg6[%swap3A_1117, %swap3A_1118, %swap3A_1119], %swap3A_1122 {strides = array<i32>} : memref<7x16x1024xf32, #tpu.memory_space<vmem>>, vector<1x1x16xf32>,
        %get3A_1123 = arith.index_cast %scan3A_263 : i32 to index
        %get3A_1124 = arith.index_cast %scan3A_326 : i32 to index
        %get3A_1125 = arith.constant 912 : index
        %get3A_1126 = tpu.vector_load %arg6[%get3A_1123, %get3A_1124, %get3A_1125] {strides = array<i32>} : memref<7x16x1024xf32, #tpu.memory_space<vmem>>, vector<1x1x16xf32>,
        %get3A_1127 = vector.shape_cast %get3A_1126 : vector<1x1x16xf32> to vector<16xf32>
        %mul3A_1128 = arith.constant 3.200000e+01 : f32
        %mul3A_1129 = vector.broadcast %mul3A_1128 : f32 to vector<16xf32>
        %mul3A_1130 = arith.mulf %get3A_1127, %mul3A_1129 : vector<16xf32>
        %swap3A_1131 = arith.index_cast %scan3A_263 : i32 to index
        %swap3A_1132 = arith.index_cast %scan3A_326 : i32 to index
        %swap3A_1133 = arith.constant 912 : index
        %swap3A_1134 = tpu.vector_load %arg6[%swap3A_1131, %swap3A_1132, %swap3A_1133] {strides = array<i32>} : memref<7x16x1024xf32, #tpu.memory_space<vmem>>, vector<1x1x16xf32>,
        %swap3A_1135 = vector.shape_cast %swap3A_1134 : vector<1x1x16xf32> to vector<16xf32>
        %swap3A_1136 = vector.shape_cast %mul3A_1130 : vector<16xf32> to vector<1x1x16xf32>
        tpu.vector_store %arg6[%swap3A_1131, %swap3A_1132, %swap3A_1133], %swap3A_1136 {strides = array<i32>} : memref<7x16x1024xf32, #tpu.memory_space<vmem>>, vector<1x1x16xf32>,
        %get3A_1137 = arith.index_cast %scan3A_263 : i32 to index
        %get3A_1138 = arith.index_cast %scan3A_326 : i32 to index
        %get3A_1139 = arith.constant 928 : index
        %get3A_1140 = tpu.vector_load %arg6[%get3A_1137, %get3A_1138, %get3A_1139] {strides = array<i32>} : memref<7x16x1024xf32, #tpu.memory_space<vmem>>, vector<1x1x16xf32>,
        %get3A_1141 = vector.shape_cast %get3A_1140 : vector<1x1x16xf32> to vector<16xf32>
        %mul3A_1142 = arith.constant 3.200000e+01 : f32
        %mul3A_1143 = vector.broadcast %mul3A_1142 : f32 to vector<16xf32>
        %mul3A_1144 = arith.mulf %get3A_1141, %mul3A_1143 : vector<16xf32>
        %swap3A_1145 = arith.index_cast %scan3A_263 : i32 to index
        %swap3A_1146 = arith.index_cast %scan3A_326 : i32 to index
        %swap3A_1147 = arith.constant 928 : index
        %swap3A_1148 = tpu.vector_load %arg6[%swap3A_1145, %swap3A_1146, %swap3A_1147] {strides = array<i32>} : memref<7x16x1024xf32, #tpu.memory_space<vmem>>, vector<1x1x16xf32>,
        %swap3A_1149 = vector.shape_cast %swap3A_1148 : vector<1x1x16xf32> to vector<16xf32>
        %swap3A_1150 = vector.shape_cast %mul3A_1144 : vector<16xf32> to vector<1x1x16xf32>
        tpu.vector_store %arg6[%swap3A_1145, %swap3A_1146, %swap3A_1147], %swap3A_1150 {strides = array<i32>} : memref<7x16x1024xf32, #tpu.memory_space<vmem>>, vector<1x1x16xf32>,
        %get3A_1151 = arith.index_cast %scan3A_263 : i32 to index
        %get3A_1152 = arith.index_cast %scan3A_326 : i32 to index
        %get3A_1153 = arith.constant 944 : index
        %get3A_1154 = tpu.vector_load %arg6[%get3A_1151, %get3A_1152, %get3A_1153] {strides = array<i32>} : memref<7x16x1024xf32, #tpu.memory_space<vmem>>, vector<1x1x16xf32>,
        %get3A_1155 = vector.shape_cast %get3A_1154 : vector<1x1x16xf32> to vector<16xf32>
        %mul3A_1156 = arith.constant 3.200000e+01 : f32
        %mul3A_1157 = vector.broadcast %mul3A_1156 : f32 to vector<16xf32>
        %mul3A_1158 = arith.mulf %get3A_1155, %mul3A_1157 : vector<16xf32>
        %swap3A_1159 = arith.index_cast %scan3A_263 : i32 to index
        %swap3A_1160 = arith.index_cast %scan3A_326 : i32 to index
        %swap3A_1161 = arith.constant 944 : index
        %swap3A_1162 = tpu.vector_load %arg6[%swap3A_1159, %swap3A_1160, %swap3A_1161] {strides = array<i32>} : memref<7x16x1024xf32, #tpu.memory_space<vmem>>, vector<1x1x16xf32>,
        %swap3A_1163 = vector.shape_cast %swap3A_1162 : vector<1x1x16xf32> to vector<16xf32>
        %swap3A_1164 = vector.shape_cast %mul3A_1158 : vector<16xf32> to vector<1x1x16xf32>
        tpu.vector_store %arg6[%swap3A_1159, %swap3A_1160, %swap3A_1161], %swap3A_1164 {strides = array<i32>} : memref<7x16x1024xf32, #tpu.memory_space<vmem>>, vector<1x1x16xf32>,
        %get3A_1165 = arith.index_cast %scan3A_263 : i32 to index
        %get3A_1166 = arith.index_cast %scan3A_326 : i32 to index
        %get3A_1167 = arith.constant 960 : index
        %get3A_1168 = tpu.vector_load %arg6[%get3A_1165, %get3A_1166, %get3A_1167] {strides = array<i32>} : memref<7x16x1024xf32, #tpu.memory_space<vmem>>, vector<1x1x16xf32>,
        %get3A_1169 = vector.shape_cast %get3A_1168 : vector<1x1x16xf32> to vector<16xf32>
        %mul3A_1170 = arith.constant 3.200000e+01 : f32
        %mul3A_1171 = vector.broadcast %mul3A_1170 : f32 to vector<16xf32>
        %mul3A_1172 = arith.mulf %get3A_1169, %mul3A_1171 : vector<16xf32>
        %swap3A_1173 = arith.index_cast %scan3A_263 : i32 to index
        %swap3A_1174 = arith.index_cast %scan3A_326 : i32 to index
        %swap3A_1175 = arith.constant 960 : index
        %swap3A_1176 = tpu.vector_load %arg6[%swap3A_1173, %swap3A_1174, %swap3A_1175] {strides = array<i32>} : memref<7x16x1024xf32, #tpu.memory_space<vmem>>, vector<1x1x16xf32>,
        %swap3A_1177 = vector.shape_cast %swap3A_1176 : vector<1x1x16xf32> to vector<16xf32>
        %swap3A_1178 = vector.shape_cast %mul3A_1172 : vector<16xf32> to vector<1x1x16xf32>
        tpu.vector_store %arg6[%swap3A_1173, %swap3A_1174, %swap3A_1175], %swap3A_1178 {strides = array<i32>} : memref<7x16x1024xf32, #tpu.memory_space<vmem>>, vector<1x1x16xf32>,
        %get3A_1179 = arith.index_cast %scan3A_263 : i32 to index
        %get3A_1180 = arith.index_cast %scan3A_326 : i32 to index
        %get3A_1181 = arith.constant 976 : index
        %get3A_1182 = tpu.vector_load %arg6[%get3A_1179, %get3A_1180, %get3A_1181] {strides = array<i32>} : memref<7x16x1024xf32, #tpu.memory_space<vmem>>, vector<1x1x16xf32>,
        %get3A_1183 = vector.shape_cast %get3A_1182 : vector<1x1x16xf32> to vector<16xf32>
        %mul3A_1184 = arith.constant 3.200000e+01 : f32
        %mul3A_1185 = vector.broadcast %mul3A_1184 : f32 to vector<16xf32>
        %mul3A_1186 = arith.mulf %get3A_1183, %mul3A_1185 : vector<16xf32>
        %swap3A_1187 = arith.index_cast %scan3A_263 : i32 to index
        %swap3A_1188 = arith.index_cast %scan3A_326 : i32 to index
        %swap3A_1189 = arith.constant 976 : index
        %swap3A_1190 = tpu.vector_load %arg6[%swap3A_1187, %swap3A_1188, %swap3A_1189] {strides = array<i32>} : memref<7x16x1024xf32, #tpu.memory_space<vmem>>, vector<1x1x16xf32>,
        %swap3A_1191 = vector.shape_cast %swap3A_1190 : vector<1x1x16xf32> to vector<16xf32>
        %swap3A_1192 = vector.shape_cast %mul3A_1186 : vector<16xf32> to vector<1x1x16xf32>
        tpu.vector_store %arg6[%swap3A_1187, %swap3A_1188, %swap3A_1189], %swap3A_1192 {strides = array<i32>} : memref<7x16x1024xf32, #tpu.memory_space<vmem>>, vector<1x1x16xf32>,
        %get3A_1193 = arith.index_cast %scan3A_263 : i32 to index
        %get3A_1194 = arith.index_cast %scan3A_326 : i32 to index
        %get3A_1195 = arith.constant 992 : index
        %get3A_1196 = tpu.vector_load %arg6[%get3A_1193, %get3A_1194, %get3A_1195] {strides = array<i32>} : memref<7x16x1024xf32, #tpu.memory_space<vmem>>, vector<1x1x16xf32>,
        %get3A_1197 = vector.shape_cast %get3A_1196 : vector<1x1x16xf32> to vector<16xf32>
        %mul3A_1198 = arith.constant 3.200000e+01 : f32
        %mul3A_1199 = vector.broadcast %mul3A_1198 : f32 to vector<16xf32>
        %mul3A_1200 = arith.mulf %get3A_1197, %mul3A_1199 : vector<16xf32>
        %swap3A_1201 = arith.index_cast %scan3A_263 : i32 to index
        %swap3A_1202 = arith.index_cast %scan3A_326 : i32 to index
        %swap3A_1203 = arith.constant 992 : index
        %swap3A_1204 = tpu.vector_load %arg6[%swap3A_1201, %swap3A_1202, %swap3A_1203] {strides = array<i32>} : memref<7x16x1024xf32, #tpu.memory_space<vmem>>, vector<1x1x16xf32>,
        %swap3A_1205 = vector.shape_cast %swap3A_1204 : vector<1x1x16xf32> to vector<16xf32>
        %swap3A_1206 = vector.shape_cast %mul3A_1200 : vector<16xf32> to vector<1x1x16xf32>
        tpu.vector_store %arg6[%swap3A_1201, %swap3A_1202, %swap3A_1203], %swap3A_1206 {strides = array<i32>} : memref<7x16x1024xf32, #tpu.memory_space<vmem>>, vector<1x1x16xf32>,
        %get3A_1207 = arith.index_cast %scan3A_263 : i32 to index
        %get3A_1208 = arith.index_cast %scan3A_326 : i32 to index
        %get3A_1209 = arith.constant 1008 : index
        %get3A_1210 = tpu.vector_load %arg6[%get3A_1207, %get3A_1208, %get3A_1209] {strides = array<i32>} : memref<7x16x1024xf32, #tpu.memory_space<vmem>>, vector<1x1x16xf32>,
        %get3A_1211 = vector.shape_cast %get3A_1210 : vector<1x1x16xf32> to vector<16xf32>
        %mul3A_1212 = arith.constant 3.200000e+01 : f32
        %mul3A_1213 = vector.broadcast %mul3A_1212 : f32 to vector<16xf32>
        %mul3A_1214 = arith.mulf %get3A_1211, %mul3A_1213 : vector<16xf32>
        %swap3A_1215 = arith.index_cast %scan3A_263 : i32 to index
        %swap3A_1216 = arith.index_cast %scan3A_326 : i32 to index
        %swap3A_1217 = arith.constant 1008 : index
        %swap3A_1218 = tpu.vector_load %arg6[%swap3A_1215, %swap3A_1216, %swap3A_1217] {strides = array<i32>} : memref<7x16x1024xf32, #tpu.memory_space<vmem>>, vector<1x1x16xf32>,
        %swap3A_1219 = vector.shape_cast %swap3A_1218 : vector<1x1x16xf32> to vector<16xf32>
        %swap3A_1220 = vector.shape_cast %mul3A_1214 : vector<16xf32> to vector<1x1x16xf32>
        tpu.vector_store %arg6[%swap3A_1215, %swap3A_1216, %swap3A_1217], %swap3A_1220 {strides = array<i32>} : memref<7x16x1024xf32, #tpu.memory_space<vmem>>, vector<1x1x16xf32>,
      }
      %scan3A_285 = arith.constant 16 : i32
      %mul3A_286 = arith.constant 16 : i32
      %mul3A_287 = arith.muli %scan3A_262, %mul3A_286 : i32
      %add3A_288 = arith.addi %mul3A_32, %mul3A_287 : i32
      %dma_start3A_289 = arith.constant 0 : i32
      %dma_start3A_290 = arith.constant 0 : i32
      %dma_start3A_291 = tpu.memref_slice %arg6[%scan3A_263, %dma_start3A_289, %dma_start3A_290] : memref<7x16x1024xf32, #tpu.memory_space<vmem>> -> memref<1x16x1024xf32, #tpu.memory_space<vmem>>
      %dma_start3A_292 = tpu.memref_squeeze %dma_start3A_291 : memref<1x16x1024xf32, #tpu.memory_space<vmem>> -> memref<16x1024xf32, #tpu.memory_space<vmem>>
      %dma_start3A_293 = arith.constant 0 : i32
      %dma_start3A_294 = tpu.memref_slice %arg4[%select_n3A, %add3A_288, %dma_start3A_293] : memref<4x4096x1024xf32, #tpu.memory_space<hbm>> -> memref<1x16x1024xf32, #tpu.memory_space<hbm>>
      %dma_start3A_295 = tpu.memref_squeeze %dma_start3A_294 : memref<1x16x1024xf32, #tpu.memory_space<hbm>> -> memref<16x1024xf32, #tpu.memory_space<hbm>>
      %dma_start3A_296 = tpu.memref_slice %arg8[%scan3A_263] : memref<7x!tpu.dma_semaphore, #tpu.memory_space<semaphore_mem>> -> memref<1x!tpu.dma_semaphore, #tpu.memory_space<semaphore_mem>>
      %dma_start3A_297 = tpu.memref_squeeze %dma_start3A_296 : memref<1x!tpu.dma_semaphore, #tpu.memory_space<semaphore_mem>> -> memref<!tpu.dma_semaphore, #tpu.memory_space<semaphore_mem>>
      %dma_start3A_298 = arith.constant 0 : i32
      %dma_start3A_299 = tpu.memref_slice %arg4[%select_n3A, %add3A_288, %dma_start3A_298] : memref<4x4096x1024xf32, #tpu.memory_space<hbm>> -> memref<1x16x1024xf32, #tpu.memory_space<hbm>>
      %dma_start3A_300 = tpu.memref_squeeze %dma_start3A_299 : memref<1x16x1024xf32, #tpu.memory_space<hbm>> -> memref<16x1024xf32, #tpu.memory_space<hbm>>
      %dma_start3A_301 = arith.constant 0 : i32
      %dma_start3A_302 = arith.constant 0 : i32
      %dma_start3A_303 = tpu.memref_slice %arg6[%scan3A_263, %dma_start3A_301, %dma_start3A_302] : memref<7x16x1024xf32, #tpu.memory_space<vmem>> -> memref<1x16x1024xf32, #tpu.memory_space<vmem>>
      %dma_start3A_304 = tpu.memref_squeeze %dma_start3A_303 : memref<1x16x1024xf32, #tpu.memory_space<vmem>> -> memref<16x1024xf32, #tpu.memory_space<vmem>>
      tpu.enqueue_dma source(%dma_start3A_304 : memref<16x1024xf32, #tpu.memory_space<vmem>>) target(%dma_start3A_300 : memref<16x1024xf32, #tpu.memory_space<hbm>>) target_semaphore(%dma_start3A_297 : memref<!tpu.dma_semaphore, #tpu.memory_space<semaphore_mem>>)
      %add3A_305 = arith.constant 6 : i32
      %add3A_306 = arith.addi %scan3A_263, %add3A_305 : i32
      %ge3A = arith.constant 7 : i32
      %ge3A_307 = arith.cmpi sge, %add3A_306, %ge3A : i32
      %add3A_308 = arith.constant 6 : i32
      %add3A_309 = arith.addi %scan3A_263, %add3A_308 : i32
      %sub3A_310 = arith.constant 7 : i32
      %sub3A_311 = arith.subi %add3A_309, %sub3A_310 : i32
      %add3A_312 = arith.constant 6 : i32
      %add3A_313 = arith.addi %scan3A_263, %add3A_312 : i32
      %select_n3A_314 = arith.select %ge3A_307, %sub3A_311, %add3A_313 : i32
      %add3A_315 = arith.constant 6 : i32
      %add3A_316 = arith.addi %scan3A_262, %add3A_315 : i32
      %lt3A_317 = arith.constant 32 : i32
      %lt3A_318 = arith.cmpi slt, %add3A_316, %lt3A_317 : i32
      %convert_element_type3A = arith.extui %lt3A_318 : i1 to i32
      %cond3A = arith.constant 0 : i32
      %cond3A_319 = arith.cmpi ne, %convert_element_type3A, %cond3A : i32
      scf.if %cond3A_319 {
        %add3A_326 = arith.constant 6 : i32
        %add3A_327 = arith.addi %scan3A_262, %add3A_326 : i32
        %sub3A_328 = arith.constant 7 : i32
        %sub3A_329 = arith.subi %add3A_327, %sub3A_328 : i32
        %ge3A_330 = arith.constant 0 : i32
        %ge3A_331 = arith.cmpi sge, %sub3A_329, %ge3A_330 : i32
        %convert_element_type3A_332 = arith.extui %ge3A_331 : i1 to i32
        %cond3A_333 = arith.constant 0 : i32
        %cond3A_334 = arith.cmpi ne, %convert_element_type3A_332, %cond3A_333 : i32
        scf.if %cond3A_334 {
          %dma_wait3A_349 = arith.constant 0 : i32
          %dma_wait3A_350 = arith.constant 0 : i32
          %dma_wait3A_351 = arith.constant 0 : i32
          %dma_wait3A_352 = tpu.memref_slice %arg6[%select_n3A_314, %dma_wait3A_350, %dma_wait3A_351] : memref<7x16x1024xf32, #tpu.memory_space<vmem>> -> memref<1x16x1024xf32, #tpu.memory_space<vmem>>
          %dma_wait3A_353 = tpu.memref_squeeze %dma_wait3A_352 : memref<1x16x1024xf32, #tpu.memory_space<vmem>> -> memref<16x1024xf32, #tpu.memory_space<vmem>>
          %dma_wait3A_354 = arith.constant 0 : i32
          %dma_wait3A_355 = arith.constant 0 : i32
          %dma_wait3A_356 = tpu.memref_slice %arg4[%dma_wait3A_349, %dma_wait3A_354, %dma_wait3A_355] : memref<4x4096x1024xf32, #tpu.memory_space<hbm>> -> memref<1x16x1024xf32, #tpu.memory_space<hbm>>
          %dma_wait3A_357 = tpu.memref_squeeze %dma_wait3A_356 : memref<1x16x1024xf32, #tpu.memory_space<hbm>> -> memref<16x1024xf32, #tpu.memory_space<hbm>>
          %dma_wait3A_358 = tpu.memref_slice %arg8[%select_n3A_314] : memref<7x!tpu.dma_semaphore, #tpu.memory_space<semaphore_mem>> -> memref<1x!tpu.dma_semaphore, #tpu.memory_space<semaphore_mem>>
          %dma_wait3A_359 = tpu.memref_squeeze %dma_wait3A_358 : memref<1x!tpu.dma_semaphore, #tpu.memory_space<semaphore_mem>> -> memref<!tpu.dma_semaphore, #tpu.memory_space<semaphore_mem>>
          %dma_wait3A_360 = arith.constant 0 : i32
          %dma_wait3A_361 = arith.constant 0 : i32
          %dma_wait3A_362 = tpu.memref_slice %arg4[%dma_wait3A_349, %dma_wait3A_360, %dma_wait3A_361] : memref<4x4096x1024xf32, #tpu.memory_space<hbm>> -> memref<1x16x1024xf32, #tpu.memory_space<hbm>>
          %dma_wait3A_363 = tpu.memref_squeeze %dma_wait3A_362 : memref<1x16x1024xf32, #tpu.memory_space<hbm>> -> memref<16x1024xf32, #tpu.memory_space<hbm>>
          %dma_wait3A_364 = arith.constant 0 : i32
          %dma_wait3A_365 = arith.constant 0 : i32
          %dma_wait3A_366 = tpu.memref_slice %arg6[%select_n3A_314, %dma_wait3A_364, %dma_wait3A_365] : memref<7x16x1024xf32, #tpu.memory_space<vmem>> -> memref<1x16x1024xf32, #tpu.memory_space<vmem>>
          %dma_wait3A_367 = tpu.memref_squeeze %dma_wait3A_366 : memref<1x16x1024xf32, #tpu.memory_space<vmem>> -> memref<16x1024xf32, #tpu.memory_space<vmem>>
          tpu.wait_dma2 semaphore(%dma_wait3A_359 : memref<!tpu.dma_semaphore, #tpu.memory_space<semaphore_mem>>) src(%dma_wait3A_367 : memref<16x1024xf32, #tpu.memory_space<vmem>>) dst(%dma_wait3A_363 : memref<16x1024xf32, #tpu.memory_space<hbm>>)
        } else {
        }
        %add3A_335 = arith.constant 6 : i32
        %add3A_336 = arith.addi %scan3A_262, %add3A_335 : i32
        %mul3A_337 = arith.constant 16 : i32
        %mul3A_338 = arith.muli %add3A_336, %mul3A_337 : i32
        %dma_start3A_339 = arith.constant 0 : i32
        %dma_start3A_340 = arith.constant 0 : i32
        %dma_start3A_341 = tpu.memref_slice %arg6[%select_n3A_314, %dma_start3A_339, %dma_start3A_340] : memref<7x16x1024xf32, #tpu.memory_space<vmem>> -> memref<1x16x1024xf32, #tpu.memory_space<vmem>>
        %dma_start3A_342 = tpu.memref_squeeze %dma_start3A_341 : memref<1x16x1024xf32, #tpu.memory_space<vmem>> -> memref<16x1024xf32, #tpu.memory_space<vmem>>
        %dma_start3A_343 = tpu.memref_slice %arg5[%mul3A_338] : memref<512xi32, #tpu.memory_space<vmem>> -> memref<16xi32, #tpu.memory_space<vmem>>
        %dma_start3A_344 = arith.constant 0 : i32
        %dma_start3A_345 = arith.constant 0 : i32
        %dma_start3A_346 = tpu.memref_slice %arg3[%dma_start3A_344, %dma_start3A_345] : memref<100000x1024xf32, #tpu.memory_space<hbm>> -> memref<100000x1024xf32, #tpu.memory_space<hbm>>
        %dma_start3A_347 = tpu.memref_slice %arg7[%select_n3A_314] : memref<7x!tpu.dma_semaphore, #tpu.memory_space<semaphore_mem>> -> memref<1x!tpu.dma_semaphore, #tpu.memory_space<semaphore_mem>>
        %dma_start3A_348 = tpu.memref_squeeze %dma_start3A_347 : memref<1x!tpu.dma_semaphore, #tpu.memory_space<semaphore_mem>> -> memref<!tpu.dma_semaphore, #tpu.memory_space<semaphore_mem>>
        tpu.enqueue_indirect_dma source(%dma_start3A_346 : memref<100000x1024xf32, #tpu.memory_space<hbm>>) target(%dma_start3A_342 : memref<16x1024xf32, #tpu.memory_space<vmem>>) offsets(%dma_start3A_343 : memref<16xi32, #tpu.memory_space<vmem>>) semaphore(%dma_start3A_348 : memref<!tpu.dma_semaphore, #tpu.memory_space<semaphore_mem>>)
      } else {
      }
      %eq3A_320 = arith.constant 6 : i32
      %eq3A_321 = arith.cmpi eq, %scan3A_263, %eq3A_320 : i32
      %add3A_322 = arith.constant 1 : i32
      %add3A_323 = arith.addi %scan3A_263, %add3A_322 : i32
      %select_n3A_324 = arith.constant 0 : i32
      %select_n3A_325 = arith.select %eq3A_321, %select_n3A_324, %add3A_323 : i32
      scf.yield %select_n3A_325 : i32
    }
    %scan3A_115 = arith.constant 32 : i32
    %dma_wait3A = arith.constant 4 : i32
    %dma_wait3A_116 = arith.constant 0 : i32
    %dma_wait3A_117 = arith.constant 4 : i32
    %dma_wait3A_118 = arith.constant 0 : i32
    %dma_wait3A_119 = arith.constant 0 : i32
    %dma_wait3A_120 = tpu.memref_slice %arg6[%dma_wait3A, %dma_wait3A_118, %dma_wait3A_119] : memref<7x16x1024xf32, #tpu.memory_space<vmem>> -> memref<1x16x1024xf32, #tpu.memory_space<vmem>>
    %dma_wait3A_121 = tpu.memref_squeeze %dma_wait3A_120 : memref<1x16x1024xf32, #tpu.memory_space<vmem>> -> memref<16x1024xf32, #tpu.memory_space<vmem>>
    %dma_wait3A_122 = arith.constant 0 : i32
    %dma_wait3A_123 = arith.constant 0 : i32
    %dma_wait3A_124 = tpu.memref_slice %arg4[%dma_wait3A_116, %dma_wait3A_122, %dma_wait3A_123] : memref<4x4096x1024xf32, #tpu.memory_space<hbm>> -> memref<1x16x1024xf32, #tpu.memory_space<hbm>>
    %dma_wait3A_125 = tpu.memref_squeeze %dma_wait3A_124 : memref<1x16x1024xf32, #tpu.memory_space<hbm>> -> memref<16x1024xf32, #tpu.memory_space<hbm>>
    %dma_wait3A_126 = tpu.memref_slice %arg8[%dma_wait3A_117] : memref<7x!tpu.dma_semaphore, #tpu.memory_space<semaphore_mem>> -> memref<1x!tpu.dma_semaphore, #tpu.memory_space<semaphore_mem>>
    %dma_wait3A_127 = tpu.memref_squeeze %dma_wait3A_126 : memref<1x!tpu.dma_semaphore, #tpu.memory_space<semaphore_mem>> -> memref<!tpu.dma_semaphore, #tpu.memory_space<semaphore_mem>>
    %dma_wait3A_128 = arith.constant 0 : i32
    %dma_wait3A_129 = arith.constant 0 : i32
    %dma_wait3A_130 = tpu.memref_slice %arg4[%dma_wait3A_116, %dma_wait3A_128, %dma_wait3A_129] : memref<4x4096x1024xf32, #tpu.memory_space<hbm>> -> memref<1x16x1024xf32, #tpu.memory_space<hbm>>
    %dma_wait3A_131 = tpu.memref_squeeze %dma_wait3A_130 : memref<1x16x1024xf32, #tpu.memory_space<hbm>> -> memref<16x1024xf32, #tpu.memory_space<hbm>>
    %dma_wait3A_132 = arith.constant 0 : i32
    %dma_wait3A_133 = arith.constant 0 : i32
    %dma_wait3A_134 = tpu.memref_slice %arg6[%dma_wait3A, %dma_wait3A_132, %dma_wait3A_133] : memref<7x16x1024xf32, #tpu.memory_space<vmem>> -> memref<1x16x1024xf32, #tpu.memory_space<vmem>>
    %dma_wait3A_135 = tpu.memref_squeeze %dma_wait3A_134 : memref<1x16x1024xf32, #tpu.memory_space<vmem>> -> memref<16x1024xf32, #tpu.memory_space<vmem>>
    tpu.wait_dma2 semaphore(%dma_wait3A_127 : memref<!tpu.dma_semaphore, #tpu.memory_space<semaphore_mem>>) src(%dma_wait3A_135 : memref<16x1024xf32, #tpu.memory_space<vmem>>) dst(%dma_wait3A_131 : memref<16x1024xf32, #tpu.memory_space<hbm>>)
    %dma_wait3A_136 = arith.constant 5 : i32
    %dma_wait3A_137 = arith.constant 0 : i32
    %dma_wait3A_138 = arith.constant 5 : i32
    %dma_wait3A_139 = arith.constant 0 : i32
    %dma_wait3A_140 = arith.constant 0 : i32
    %dma_wait3A_141 = tpu.memref_slice %arg6[%dma_wait3A_136, %dma_wait3A_139, %dma_wait3A_140] : memref<7x16x1024xf32, #tpu.memory_space<vmem>> -> memref<1x16x1024xf32, #tpu.memory_space<vmem>>
    %dma_wait3A_142 = tpu.memref_squeeze %dma_wait3A_141 : memref<1x16x1024xf32, #tpu.memory_space<vmem>> -> memref<16x1024xf32, #tpu.memory_space<vmem>>
    %dma_wait3A_143 = arith.constant 0 : i32
    %dma_wait3A_144 = arith.constant 0 : i32
    %dma_wait3A_145 = tpu.memref_slice %arg4[%dma_wait3A_137, %dma_wait3A_143, %dma_wait3A_144] : memref<4x4096x1024xf32, #tpu.memory_space<hbm>> -> memref<1x16x1024xf32, #tpu.memory_space<hbm>>
    %dma_wait3A_146 = tpu.memref_squeeze %dma_wait3A_145 : memref<1x16x1024xf32, #tpu.memory_space<hbm>> -> memref<16x1024xf32, #tpu.memory_space<hbm>>
    %dma_wait3A_147 = tpu.memref_slice %arg8[%dma_wait3A_138] : memref<7x!tpu.dma_semaphore, #tpu.memory_space<semaphore_mem>> -> memref<1x!tpu.dma_semaphore, #tpu.memory_space<semaphore_mem>>
    %dma_wait3A_148 = tpu.memref_squeeze %dma_wait3A_147 : memref<1x!tpu.dma_semaphore, #tpu.memory_space<semaphore_mem>> -> memref<!tpu.dma_semaphore, #tpu.memory_space<semaphore_mem>>
    %dma_wait3A_149 = arith.constant 0 : i32
    %dma_wait3A_150 = arith.constant 0 : i32
    %dma_wait3A_151 = tpu.memref_slice %arg4[%dma_wait3A_137, %dma_wait3A_149, %dma_wait3A_150] : memref<4x4096x1024xf32, #tpu.memory_space<hbm>> -> memref<1x16x1024xf32, #tpu.memory_space<hbm>>
    %dma_wait3A_152 = tpu.memref_squeeze %dma_wait3A_151 : memref<1x16x1024xf32, #tpu.memory_space<hbm>> -> memref<16x1024xf32, #tpu.memory_space<hbm>>
    %dma_wait3A_153 = arith.constant 0 : i32
    %dma_wait3A_154 = arith.constant 0 : i32
    %dma_wait3A_155 = tpu.memref_slice %arg6[%dma_wait3A_136, %dma_wait3A_153, %dma_wait3A_154] : memref<7x16x1024xf32, #tpu.memory_space<vmem>> -> memref<1x16x1024xf32, #tpu.memory_space<vmem>>
    %dma_wait3A_156 = tpu.memref_squeeze %dma_wait3A_155 : memref<1x16x1024xf32, #tpu.memory_space<vmem>> -> memref<16x1024xf32, #tpu.memory_space<vmem>>
    tpu.wait_dma2 semaphore(%dma_wait3A_148 : memref<!tpu.dma_semaphore, #tpu.memory_space<semaphore_mem>>) src(%dma_wait3A_156 : memref<16x1024xf32, #tpu.memory_space<vmem>>) dst(%dma_wait3A_152 : memref<16x1024xf32, #tpu.memory_space<hbm>>)
    %dma_wait3A_157 = arith.constant 6 : i32
    %dma_wait3A_158 = arith.constant 0 : i32
    %dma_wait3A_159 = arith.constant 6 : i32
    %dma_wait3A_160 = arith.constant 0 : i32
    %dma_wait3A_161 = arith.constant 0 : i32
    %dma_wait3A_162 = tpu.memref_slice %arg6[%dma_wait3A_157, %dma_wait3A_160, %dma_wait3A_161] : memref<7x16x1024xf32, #tpu.memory_space<vmem>> -> memref<1x16x1024xf32, #tpu.memory_space<vmem>>
    %dma_wait3A_163 = tpu.memref_squeeze %dma_wait3A_162 : memref<1x16x1024xf32, #tpu.memory_space<vmem>> -> memref<16x1024xf32, #tpu.memory_space<vmem>>
    %dma_wait3A_164 = arith.constant 0 : i32
    %dma_wait3A_165 = arith.constant 0 : i32
    %dma_wait3A_166 = tpu.memref_slice %arg4[%dma_wait3A_158, %dma_wait3A_164, %dma_wait3A_165] : memref<4x4096x1024xf32, #tpu.memory_space<hbm>> -> memref<1x16x1024xf32, #tpu.memory_space<hbm>>
    %dma_wait3A_167 = tpu.memref_squeeze %dma_wait3A_166 : memref<1x16x1024xf32, #tpu.memory_space<hbm>> -> memref<16x1024xf32, #tpu.memory_space<hbm>>
    %dma_wait3A_168 = tpu.memref_slice %arg8[%dma_wait3A_159] : memref<7x!tpu.dma_semaphore, #tpu.memory_space<semaphore_mem>> -> memref<1x!tpu.dma_semaphore, #tpu.memory_space<semaphore_mem>>
    %dma_wait3A_169 = tpu.memref_squeeze %dma_wait3A_168 : memref<1x!tpu.dma_semaphore, #tpu.memory_space<semaphore_mem>> -> memref<!tpu.dma_semaphore, #tpu.memory_space<semaphore_mem>>
    %dma_wait3A_170 = arith.constant 0 : i32
    %dma_wait3A_171 = arith.constant 0 : i32
    %dma_wait3A_172 = tpu.memref_slice %arg4[%dma_wait3A_158, %dma_wait3A_170, %dma_wait3A_171] : memref<4x4096x1024xf32, #tpu.memory_space<hbm>> -> memref<1x16x1024xf32, #tpu.memory_space<hbm>>
    %dma_wait3A_173 = tpu.memref_squeeze %dma_wait3A_172 : memref<1x16x1024xf32, #tpu.memory_space<hbm>> -> memref<16x1024xf32, #tpu.memory_space<hbm>>
    %dma_wait3A_174 = arith.constant 0 : i32
    %dma_wait3A_175 = arith.constant 0 : i32
    %dma_wait3A_176 = tpu.memref_slice %arg6[%dma_wait3A_157, %dma_wait3A_174, %dma_wait3A_175] : memref<7x16x1024xf32, #tpu.memory_space<vmem>> -> memref<1x16x1024xf32, #tpu.memory_space<vmem>>
    %dma_wait3A_177 = tpu.memref_squeeze %dma_wait3A_176 : memref<1x16x1024xf32, #tpu.memory_space<vmem>> -> memref<16x1024xf32, #tpu.memory_space<vmem>>
    tpu.wait_dma2 semaphore(%dma_wait3A_169 : memref<!tpu.dma_semaphore, #tpu.memory_space<semaphore_mem>>) src(%dma_wait3A_177 : memref<16x1024xf32, #tpu.memory_space<vmem>>) dst(%dma_wait3A_173 : memref<16x1024xf32, #tpu.memory_space<hbm>>)
    %dma_wait3A_178 = arith.constant 0 : i32
    %dma_wait3A_179 = arith.constant 0 : i32
    %dma_wait3A_180 = arith.constant 0 : i32
    %dma_wait3A_181 = arith.constant 0 : i32
    %dma_wait3A_182 = arith.constant 0 : i32
    %dma_wait3A_183 = tpu.memref_slice %arg6[%dma_wait3A_178, %dma_wait3A_181, %dma_wait3A_182] : memref<7x16x1024xf32, #tpu.memory_space<vmem>> -> memref<1x16x1024xf32, #tpu.memory_space<vmem>>
    %dma_wait3A_184 = tpu.memref_squeeze %dma_wait3A_183 : memref<1x16x1024xf32, #tpu.memory_space<vmem>> -> memref<16x1024xf32, #tpu.memory_space<vmem>>
    %dma_wait3A_185 = arith.constant 0 : i32
    %dma_wait3A_186 = arith.constant 0 : i32
    %dma_wait3A_187 = tpu.memref_slice %arg4[%dma_wait3A_179, %dma_wait3A_185, %dma_wait3A_186] : memref<4x4096x1024xf32, #tpu.memory_space<hbm>> -> memref<1x16x1024xf32, #tpu.memory_space<hbm>>
    %dma_wait3A_188 = tpu.memref_squeeze %dma_wait3A_187 : memref<1x16x1024xf32, #tpu.memory_space<hbm>> -> memref<16x1024xf32, #tpu.memory_space<hbm>>
    %dma_wait3A_189 = tpu.memref_slice %arg8[%dma_wait3A_180] : memref<7x!tpu.dma_semaphore, #tpu.memory_space<semaphore_mem>> -> memref<1x!tpu.dma_semaphore, #tpu.memory_space<semaphore_mem>>
    %dma_wait3A_190 = tpu.memref_squeeze %dma_wait3A_189 : memref<1x!tpu.dma_semaphore, #tpu.memory_space<semaphore_mem>> -> memref<!tpu.dma_semaphore, #tpu.memory_space<semaphore_mem>>
    %dma_wait3A_191 = arith.constant 0 : i32
    %dma_wait3A_192 = arith.constant 0 : i32
    %dma_wait3A_193 = tpu.memref_slice %arg4[%dma_wait3A_179, %dma_wait3A_191, %dma_wait3A_192] : memref<4x4096x1024xf32, #tpu.memory_space<hbm>> -> memref<1x16x1024xf32, #tpu.memory_space<hbm>>
    %dma_wait3A_194 = tpu.memref_squeeze %dma_wait3A_193 : memref<1x16x1024xf32, #tpu.memory_space<hbm>> -> memref<16x1024xf32, #tpu.memory_space<hbm>>
    %dma_wait3A_195 = arith.constant 0 : i32
    %dma_wait3A_196 = arith.constant 0 : i32
    %dma_wait3A_197 = tpu.memref_slice %arg6[%dma_wait3A_178, %dma_wait3A_195, %dma_wait3A_196] : memref<7x16x1024xf32, #tpu.memory_space<vmem>> -> memref<1x16x1024xf32, #tpu.memory_space<vmem>>
    %dma_wait3A_198 = tpu.memref_squeeze %dma_wait3A_197 : memref<1x16x1024xf32, #tpu.memory_space<vmem>> -> memref<16x1024xf32, #tpu.memory_space<vmem>>
    tpu.wait_dma2 semaphore(%dma_wait3A_190 : memref<!tpu.dma_semaphore, #tpu.memory_space<semaphore_mem>>) src(%dma_wait3A_198 : memref<16x1024xf32, #tpu.memory_space<vmem>>) dst(%dma_wait3A_194 : memref<16x1024xf32, #tpu.memory_space<hbm>>)
    %dma_wait3A_199 = arith.constant 1 : i32
    %dma_wait3A_200 = arith.constant 0 : i32
    %dma_wait3A_201 = arith.constant 1 : i32
    %dma_wait3A_202 = arith.constant 0 : i32
    %dma_wait3A_203 = arith.constant 0 : i32
    %dma_wait3A_204 = tpu.memref_slice %arg6[%dma_wait3A_199, %dma_wait3A_202, %dma_wait3A_203] : memref<7x16x1024xf32, #tpu.memory_space<vmem>> -> memref<1x16x1024xf32, #tpu.memory_space<vmem>>
    %dma_wait3A_205 = tpu.memref_squeeze %dma_wait3A_204 : memref<1x16x1024xf32, #tpu.memory_space<vmem>> -> memref<16x1024xf32, #tpu.memory_space<vmem>>
    %dma_wait3A_206 = arith.constant 0 : i32
    %dma_wait3A_207 = arith.constant 0 : i32
    %dma_wait3A_208 = tpu.memref_slice %arg4[%dma_wait3A_200, %dma_wait3A_206, %dma_wait3A_207] : memref<4x4096x1024xf32, #tpu.memory_space<hbm>> -> memref<1x16x1024xf32, #tpu.memory_space<hbm>>
    %dma_wait3A_209 = tpu.memref_squeeze %dma_wait3A_208 : memref<1x16x1024xf32, #tpu.memory_space<hbm>> -> memref<16x1024xf32, #tpu.memory_space<hbm>>
    %dma_wait3A_210 = tpu.memref_slice %arg8[%dma_wait3A_201] : memref<7x!tpu.dma_semaphore, #tpu.memory_space<semaphore_mem>> -> memref<1x!tpu.dma_semaphore, #tpu.memory_space<semaphore_mem>>
    %dma_wait3A_211 = tpu.memref_squeeze %dma_wait3A_210 : memref<1x!tpu.dma_semaphore, #tpu.memory_space<semaphore_mem>> -> memref<!tpu.dma_semaphore, #tpu.memory_space<semaphore_mem>>
    %dma_wait3A_212 = arith.constant 0 : i32
    %dma_wait3A_213 = arith.constant 0 : i32
    %dma_wait3A_214 = tpu.memref_slice %arg4[%dma_wait3A_200, %dma_wait3A_212, %dma_wait3A_213] : memref<4x4096x1024xf32, #tpu.memory_space<hbm>> -> memref<1x16x1024xf32, #tpu.memory_space<hbm>>
    %dma_wait3A_215 = tpu.memref_squeeze %dma_wait3A_214 : memref<1x16x1024xf32, #tpu.memory_space<hbm>> -> memref<16x1024xf32, #tpu.memory_space<hbm>>
    %dma_wait3A_216 = arith.constant 0 : i32
    %dma_wait3A_217 = arith.constant 0 : i32
    %dma_wait3A_218 = tpu.memref_slice %arg6[%dma_wait3A_199, %dma_wait3A_216, %dma_wait3A_217] : memref<7x16x1024xf32, #tpu.memory_space<vmem>> -> memref<1x16x1024xf32, #tpu.memory_space<vmem>>
    %dma_wait3A_219 = tpu.memref_squeeze %dma_wait3A_218 : memref<1x16x1024xf32, #tpu.memory_space<vmem>> -> memref<16x1024xf32, #tpu.memory_space<vmem>>
    tpu.wait_dma2 semaphore(%dma_wait3A_211 : memref<!tpu.dma_semaphore, #tpu.memory_space<semaphore_mem>>) src(%dma_wait3A_219 : memref<16x1024xf32, #tpu.memory_space<vmem>>) dst(%dma_wait3A_215 : memref<16x1024xf32, #tpu.memory_space<hbm>>)
    %dma_wait3A_220 = arith.constant 2 : i32
    %dma_wait3A_221 = arith.constant 0 : i32
    %dma_wait3A_222 = arith.constant 2 : i32
    %dma_wait3A_223 = arith.constant 0 : i32
    %dma_wait3A_224 = arith.constant 0 : i32
    %dma_wait3A_225 = tpu.memref_slice %arg6[%dma_wait3A_220, %dma_wait3A_223, %dma_wait3A_224] : memref<7x16x1024xf32, #tpu.memory_space<vmem>> -> memref<1x16x1024xf32, #tpu.memory_space<vmem>>
    %dma_wait3A_226 = tpu.memref_squeeze %dma_wait3A_225 : memref<1x16x1024xf32, #tpu.memory_space<vmem>> -> memref<16x1024xf32, #tpu.memory_space<vmem>>
    %dma_wait3A_227 = arith.constant 0 : i32
    %dma_wait3A_228 = arith.constant 0 : i32
    %dma_wait3A_229 = tpu.memref_slice %arg4[%dma_wait3A_221, %dma_wait3A_227, %dma_wait3A_228] : memref<4x4096x1024xf32, #tpu.memory_space<hbm>> -> memref<1x16x1024xf32, #tpu.memory_space<hbm>>
    %dma_wait3A_230 = tpu.memref_squeeze %dma_wait3A_229 : memref<1x16x1024xf32, #tpu.memory_space<hbm>> -> memref<16x1024xf32, #tpu.memory_space<hbm>>
    %dma_wait3A_231 = tpu.memref_slice %arg8[%dma_wait3A_222] : memref<7x!tpu.dma_semaphore, #tpu.memory_space<semaphore_mem>> -> memref<1x!tpu.dma_semaphore, #tpu.memory_space<semaphore_mem>>
    %dma_wait3A_232 = tpu.memref_squeeze %dma_wait3A_231 : memref<1x!tpu.dma_semaphore, #tpu.memory_space<semaphore_mem>> -> memref<!tpu.dma_semaphore, #tpu.memory_space<semaphore_mem>>
    %dma_wait3A_233 = arith.constant 0 : i32
    %dma_wait3A_234 = arith.constant 0 : i32
    %dma_wait3A_235 = tpu.memref_slice %arg4[%dma_wait3A_221, %dma_wait3A_233, %dma_wait3A_234] : memref<4x4096x1024xf32, #tpu.memory_space<hbm>> -> memref<1x16x1024xf32, #tpu.memory_space<hbm>>
    %dma_wait3A_236 = tpu.memref_squeeze %dma_wait3A_235 : memref<1x16x1024xf32, #tpu.memory_space<hbm>> -> memref<16x1024xf32, #tpu.memory_space<hbm>>
    %dma_wait3A_237 = arith.constant 0 : i32
    %dma_wait3A_238 = arith.constant 0 : i32
    %dma_wait3A_239 = tpu.memref_slice %arg6[%dma_wait3A_220, %dma_wait3A_237, %dma_wait3A_238] : memref<7x16x1024xf32, #tpu.memory_space<vmem>> -> memref<1x16x1024xf32, #tpu.memory_space<vmem>>
    %dma_wait3A_240 = tpu.memref_squeeze %dma_wait3A_239 : memref<1x16x1024xf32, #tpu.memory_space<vmem>> -> memref<16x1024xf32, #tpu.memory_space<vmem>>
    tpu.wait_dma2 semaphore(%dma_wait3A_232 : memref<!tpu.dma_semaphore, #tpu.memory_space<semaphore_mem>>) src(%dma_wait3A_240 : memref<16x1024xf32, #tpu.memory_space<vmem>>) dst(%dma_wait3A_236 : memref<16x1024xf32, #tpu.memory_space<hbm>>)
    %dma_wait3A_241 = arith.constant 3 : i32
    %dma_wait3A_242 = arith.constant 0 : i32
    %dma_wait3A_243 = arith.constant 3 : i32
    %dma_wait3A_244 = arith.constant 0 : i32
    %dma_wait3A_245 = arith.constant 0 : i32
    %dma_wait3A_246 = tpu.memref_slice %arg6[%dma_wait3A_241, %dma_wait3A_244, %dma_wait3A_245] : memref<7x16x1024xf32, #tpu.memory_space<vmem>> -> memref<1x16x1024xf32, #tpu.memory_space<vmem>>
    %dma_wait3A_247 = tpu.memref_squeeze %dma_wait3A_246 : memref<1x16x1024xf32, #tpu.memory_space<vmem>> -> memref<16x1024xf32, #tpu.memory_space<vmem>>
    %dma_wait3A_248 = arith.constant 0 : i32
    %dma_wait3A_249 = arith.constant 0 : i32
    %dma_wait3A_250 = tpu.memref_slice %arg4[%dma_wait3A_242, %dma_wait3A_248, %dma_wait3A_249] : memref<4x4096x1024xf32, #tpu.memory_space<hbm>> -> memref<1x16x1024xf32, #tpu.memory_space<hbm>>
    %dma_wait3A_251 = tpu.memref_squeeze %dma_wait3A_250 : memref<1x16x1024xf32, #tpu.memory_space<hbm>> -> memref<16x1024xf32, #tpu.memory_space<hbm>>
    %dma_wait3A_252 = tpu.memref_slice %arg8[%dma_wait3A_243] : memref<7x!tpu.dma_semaphore, #tpu.memory_space<semaphore_mem>> -> memref<1x!tpu.dma_semaphore, #tpu.memory_space<semaphore_mem>>
    %dma_wait3A_253 = tpu.memref_squeeze %dma_wait3A_252 : memref<1x!tpu.dma_semaphore, #tpu.memory_space<semaphore_mem>> -> memref<!tpu.dma_semaphore, #tpu.memory_space<semaphore_mem>>
    %dma_wait3A_254 = arith.constant 0 : i32
    %dma_wait3A_255 = arith.constant 0 : i32
    %dma_wait3A_256 = tpu.memref_slice %arg4[%dma_wait3A_242, %dma_wait3A_254, %dma_wait3A_255] : memref<4x4096x1024xf32, #tpu.memory_space<hbm>> -> memref<1x16x1024xf32, #tpu.memory_space<hbm>>
    %dma_wait3A_257 = tpu.memref_squeeze %dma_wait3A_256 : memref<1x16x1024xf32, #tpu.memory_space<hbm>> -> memref<16x1024xf32, #tpu.memory_space<hbm>>
    %dma_wait3A_258 = arith.constant 0 : i32
    %dma_wait3A_259 = arith.constant 0 : i32
    %dma_wait3A_260 = tpu.memref_slice %arg6[%dma_wait3A_241, %dma_wait3A_258, %dma_wait3A_259] : memref<7x16x1024xf32, #tpu.memory_space<vmem>> -> memref<1x16x1024xf32, #tpu.memory_space<vmem>>
    %dma_wait3A_261 = tpu.memref_squeeze %dma_wait3A_260 : memref<1x16x1024xf32, #tpu.memory_space<vmem>> -> memref<16x1024xf32, #tpu.memory_space<vmem>>
    tpu.wait_dma2 semaphore(%dma_wait3A_253 : memref<!tpu.dma_semaphore, #tpu.memory_space<semaphore_mem>>) src(%dma_wait3A_261 : memref<16x1024xf32, #tpu.memory_space<vmem>>) dst(%dma_wait3A_257 : memref<16x1024xf32, #tpu.memory_space<hbm>>)
    return
  }
}

</mosaic_0001>

<sc_bundles>
// kernel: _gather_scale.3.cloned.1.call-start
scs
__scs_entry_jumppad:
0x0: {  	(pc) =	sbr.rel $0x88, $3  }
0x1: {  	(tag) =	ssettag $0x0;
	lr =	simm.s32 $0x1  }
0x2: {  	[smem:$0x3F9F] =	sst lr;
	_ =	strace $0xD0000000  }
0x3: {  	_ = 	snop  }
0x4: {  	_ = 	snop  }
0x5: {  	_ = 	snop  }
0x6: {  	_ = 	snop  }
0x7: {  	_ = 	snop  }
__scs_overlays_trampoline_lowered:
0x8: {  	[smem:$0x3FAE] =	sst s0  }
0x9: {  	[smem:$0x3FAF] =	sst s1  }
0xa: {  	[smem:$0x3FB0] =	sst s2  }
0xb: {  	[smem:$0x3FB1] =	sst s3  }
0xc: {  	[smem:$0x3FB2] =	sst s4  }
0xd: {  	[smem:$0x3FB3] =	sst s5  }
0xe: {  	[smem:$0x3FB4] =	sst s6  }
0xf: {  	[smem:$0x3FB5] =	sst s7  }
0x10: {  	[smem:$0x3FB6] =	sst s8  }
0x11: {  	[smem:$0x3FB7] =	sst s9;
	s0 =	simm.s32 @!p0 $0x0  }
0x12: {  	s1 =	sld [smem:$0x3F9D];
	s0 =	simm.s32 @p0 $0x1  }
0x13: {  	[smem:$0x3FB8] =	sst s0;
	s0 =	simm.s32 @!p1 $0x0  }
0x14: {  	s2 =	sld [smem:$0x3F9C];
	s0 =	simm.s32 @p1 $0x1  }
0x15: {  	[smem:$0x3FB9] =	sst s0;
	s0 =	simm.s32 @!p2 $0x0  }
0x16: {  	s3 =	sld [smem:$0x3FDB];
	s0 =	simm.s32 @p2 $0x1  }
0x17: {  	s4 =	simm.s32 $0x1BF5;
	[smem:$0x3FBB] =	sst s0  }
0x18: {  	s0 =	sld [smem:$0x3F9E];
	_ =	swait.ge [sflag:s4], $0x0  }
0x19: {  	s7 =	sld [smem:$0x3F9F]  }
0x1a: {  	s8 =	sadd.s32 $0xFFFFE003, lr  }
0x1b: {  	s9 =	sadd.s32 $0xFFFFFEF7, lr;
	s5 =	simm.s32 $0xFFFFFFFF;
	p2 =	slt.u32 s8, $0xFFFFF086  }
0x1c: {  	p1 =	slt.u32 s9, $0xF7A;
	s5 =	simm.s32 @!p2 $0x0  }
0x1d: {  	s5 =	simm.s32 @p1 $0x1;
	p0 =	seq.s32 s7, s2  }
0x1e: {  	s7 =	smul.u32 @!p0 $0xF7A, s2;
	p2 =	seq.s32 @!p0 s5, $0x0  }
0x1f: {  	s9 =	smul.u32 $0xF7A, s1;
	s8 =	simm.s32 @!p0 $0x1BF5;
	p2 =	por !p2, p0  }
0x20: {  	[sflag:s8] =	ssyncset.s32 @!p0 $0xFFFFF086;
	s6 =	sadd.s32 @!p0 s3, s7;
	s7 =	simm.s32 @!p0 $0x108  }
0x21: {  	s3 =	sadd.s32 s3, s9;
	s6 =	sadd.s32 @!p0 $0x88, s6;
	s7 =	simm.s32 @p2 $0x1082  }
0x22: {  	[simem:s7], [sflag:s8] =	dma.local @!p0 [hbm:s6], $0xF7A  }
0x23: {  	s9 =	sor.u32 $0xD0000000, s2;
	s6 =	simm.s32 $0x108;
	_ =	swait.ge @!p0 [sflag:s8], $0x0  }
0x24: {  	s3 =	sadd.s32 $0x88, s3;
	s6 =	simm.s32 @!p1 $0x1082;
	[sflag:s4] =	ssyncset.s32 $0xFFFFF086  }
0x25: {  	[simem:s6], [sflag:s4] =	dma.local [hbm:s3], $0xF7A  }
0x26: {  	[smem:$0x3F9F] =	sst s1;
	(tag) =	ssettag s2;
	_ =	strace s9  }
0x27: {  	s1 =	sld [smem:$0x3FAF]  }
0x28: {  	s2 =	sld [smem:$0x3FB0]  }
0x29: {  	s4 =	sld [smem:$0x3FB2]  }
0x2a: {  	p0 =	seq.s32 s5, $0x0;
	s5 =	sld [smem:$0x3FB3]  }
0x2b: {  	s6 =	sld [smem:$0x3FB4]  }
0x2c: {  	s7 =	sld [smem:$0x3FB5]  }
0x2d: {  	s3 =	simm.s32 $0x108;
	s8 =	sld [smem:$0x3FB6]  }
0x2e: {  	s3 =	simm.s32 @!p0 $0x1082;
	s9 =	sld [smem:$0x3FB7]  }
0x2f: {  	lr =	sadd.s32 s0, s3;
	s0 =	sld [smem:$0x3FAE]  }
0x30: {  	s3 =	sld [smem:$0x3FB1]  }
0x31: {  	[smem:$0x3FBA] =	sst s10  }
0x32: {  	s10 =	sld [smem:$0x3FB8];
	_ =	sdelay $0x3  }
0x33: {  	p0 =	seq.s32 s10, $0x1;
	s10 =	sld [smem:$0x3FBA];
	_ =	sdelay $0x3  }
0x34: {  	[smem:$0x3FBA] =	sst s10  }
0x35: {  	s10 =	sld [smem:$0x3FB9];
	_ =	sdelay $0x3  }
0x36: {  	p1 =	seq.s32 s10, $0x1;
	s10 =	sld [smem:$0x3FBA];
	_ =	sdelay $0x3  }
0x37: {  	[smem:$0x3FBA] =	sst s10  }
0x38: {  	s10 =	sld [smem:$0x3FBB]  }
0x39: {  	_ = 	snop;
	(pc) =	sbr.ind lr, $3  }
0x3a: {  	_ = 	snop  }
0x3b: {  	_ = 	snop  }
0x3c: {  	p2 =	seq.s32 s10, $0x1;
	s10 =	sld [smem:$0x3FBA]  }
0x3d: {  	_ =	shalt  }
0x3e: {  	_ =	shalt  }
0x3f: {  	_ =	shalt  }
0x40: {  	_ =	shalt  }
0x41: {  	_ =	shalt  }
0x42: {  	_ =	shalt  }
0x43: {  	_ =	shalt  }
0x44: {  	_ =	shalt  }
0x45: {  	_ =	shalt  }
0x46: {  	_ =	shalt  }
0x47: {  	_ =	shalt  }
0x48: {  	_ =	shalt  }
0x49: {  	_ =	shalt  }
0x4a: {  	_ =	shalt  }
0x4b: {  	_ =	shalt  }
0x4c: {  	_ =	shalt  }
0x4d: {  	_ =	shalt  }
0x4e: {  	_ =	shalt  }
0x4f: {  	_ =	shalt  }
0x50: {  	_ =	shalt  }
0x51: {  	_ =	shalt  }
0x52: {  	_ =	shalt  }
0x53: {  	_ =	shalt  }
0x54: {  	_ =	shalt  }
0x55: {  	_ =	shalt  }
0x56: {  	_ =	shalt  }
0x57: {  	_ =	shalt  }
0x58: {  	_ =	shalt  }
0x59: {  	_ =	shalt  }
0x5a: {  	_ =	shalt  }
0x5b: {  	_ =	shalt  }
0x5c: {  	_ =	shalt  }
0x5d: {  	_ =	shalt  }
0x5e: {  	_ =	shalt  }
0x5f: {  	_ =	shalt  }
0x60: {  	_ =	shalt  }
0x61: {  	_ =	shalt  }
0x62: {  	_ =	shalt  }
0x63: {  	_ =	shalt  }
0x64: {  	_ =	shalt  }
0x65: {  	_ =	shalt  }
0x66: {  	_ =	shalt  }
0x67: {  	_ =	shalt  }
0x68: {  	_ =	shalt  }
0x69: {  	_ =	shalt  }
0x6a: {  	_ =	shalt  }
0x6b: {  	_ =	shalt  }
0x6c: {  	_ =	shalt  }
0x6d: {  	_ =	shalt  }
0x6e: {  	_ =	shalt  }
0x6f: {  	_ =	shalt  }
0x70: {  	_ =	shalt  }
0x71: {  	_ =	shalt  }
0x72: {  	_ =	shalt  }
0x73: {  	_ =	shalt  }
0x74: {  	_ =	shalt  }
0x75: {  	_ =	shalt  }
0x76: {  	_ =	shalt  }
0x77: {  	_ =	shalt  }
0x78: {  	_ =	shalt  }
0x79: {  	_ =	shalt  }
0x7a: {  	_ =	shalt  }
0x7b: {  	_ =	shalt  }
0x7c: {  	_ =	shalt  }
0x7d: {  	_ =	shalt  }
0x7e: {  	_ =	shalt  }
0x7f: {  	_ =	shalt  }
0x80: {  	_ =	shalt  }
0x81: {  	_ =	shalt  }
0x82: {  	_ =	shalt  }
0x83: {  	_ =	shalt  }
0x84: {  	_ =	shalt  }
0x85: {  	_ =	shalt  }
0x86: {  	_ =	shalt  }
0x87: {  	_ =	shalt  }
.Lfunc_end0:
.L_simem_size_0:
called_computation_lowered:
.L_overlay_start_0:
0x88: {  	s2 =	sld [smem:$0x3FD9]  }
0x89: {  	s3 =	sld [smem:$0x3FFE];
	_ =	sdelay $0x1  }
0x8a: {  	s1 =	srdreg.scid  }
0x8b: {  	s0 =	sand.u32 $0x1, s1  }
0x8c: {  	s18 =	sshll.u32 s0, $0xA;
	s2 =	sadd.s32 s3, s2  }
0x8d: {  	s2 =	sadd.s32 s2, s18  }
0x8e: {  	[smem:$0x3FC6] =	sst s2  }
0x8f: {  	_ = 	snop  }
0x90: {  	s2 =	sld [smem:$0x3FC9]  }
0x91: {  	s19 =	sld [smem:$0x3FC8]  }
0x92: {  	s4 =	sld [smem:$0x3FD0];
	(tm) =	ssettm $0x1  }
0x93: {  	s5 =	sld [smem:$0x3FFB];
	_ =	sdelay $0x3  }
0x94: {  	_ =	strace s5  }
0x95: {  	s5 =	sld [smem:$0x3FFC];
	_ =	sdelay $0x3  }
0x96: {  	_ =	strace s5  }
0x97: {  	s5 =	sld [smem:$0x3FFD];
	_ =	sdelay $0x3  }
0x98: {  	_ =	strace s5  }
0x99: {  	_ =	strace $0x8FFFFFFF  }
0x9a: {  	s20 =	sld [smem:$0x3FDB];
	_ =	sdelay $0x1  }
0x9b: {  	s6 =	simm.s32 $_scs_section_size  }
0x9c: {  	s7 =	simm.s32 $_size__tile_overlayer_lowered;
	s8 =	simm.s32 $_tile_overlayer_lowered  }
0x9d: {  	s23 =	simm.s32 $0x1BFF;
	s22 =	sshll.u32 s8, $0x1;
	s5 =	sadd.s32 s6, s20  }
0x9e: {  	s9 =	simm.s32 $0x0;
	s21 =	sshll.u32 s7, $0x1;
	s7 =	sadd.s32 s22, s5  }
0x9f: {  	[timem:s9], [sflag:s23] =	dma.local [hbm:s7], s21  }
0xa0: {  	_ =	swait.ge [sflag:s23], s21  }
0xa1: {  	s6 =	ssub.s32 $0x0, s21;
	[sflag:s23] =	ssyncset.done $0x0  }
0xa2: {  	[sflag:s23] =	ssyncadd.s32 s6;
	_ =	sdelay $0x1  }
0xa3: {  	s24 =	simm.s32 $0x1B8B  }
0xa4: {  	_ =	swait.ge [sflag:s24], $0x1  }
0xa5: {  	[sflag:s24] =	ssyncset.done $0x0  }
0xa6: {  	s25 =	simm.s32 $0x1B8E;
	[sflag:s24] =	ssyncadd.s32 $0xFFFFFFFF  }
0xa7: {  	s26 =	simm.s32 $execute0_lowered;
	[smem:$0x3FD2] =	sst s25  }
0xa8: {  	s6 =	sshll.u32 s26, $0x1;
	_ =	strace $0x80000046;
	[dreg:$0x1] =	wrdreg $0xFFFFFFFF  }
0xa9: {  	s28 =	simm.s32 $_size_execute0_lowered;
	s5 =	sadd.s32 s5, s6;
	[dreg:$0x0] =	wrdreg $0x0  }
0xaa: {  	s6 =	sshll.u32 s28, $0x1;
	[dreg:$0x2] =	wrdreg s5  }
0xab: {  	[dreg:$0x3] =	wrdreg s6  }
0xac: {  	[dreg:$0x4] =	wrdreg $0xC0  }
0xad: {  	_ =	task [dreg:s9], $0x5FFFF  }
0xae: {  	[dreg:$0x1] =	wrdreg $0xFFFFFFFF  }
0xaf: {  	[dreg:$0x0] =	wrdreg $0x60  }
0xb0: {  	[dreg:$0x2] =	wrdreg s2  }
0xb1: {  	[dreg:$0x3] =	wrdreg s19  }
0xb2: {  	[dreg:$0x4] =	wrdreg s4  }
0xb3: {  	[dreg:$0x5] =	wrdreg $0x9  }
0xb4: {  	_ =	task.clear_ibuf [dreg:s9], $0x6FFFF;
	_ =	strace $0x90000046  }
0xb5: {  	s29 =	simm.s32 $0x9;
	_ =	strace $0x80000048  }
0xb6: {  	_ =	swait.ge [sflag:s29], $0x1  }
0xb7: {  	[sflag:s29] =	ssyncadd.s32 $0xFFFFFFFF  }
0xb8: {  	_ =	strace $0x90000048  }
0xb9: {  	_ =	sfence  }
0xba: {  	s30 =	sld [smem:$0x0];
	_ =	sdelay $0x2  }
0xbb: {  	s31 =	sshll.u32 s1, $0xD;
	s1 =	sshrl.u32 s1, $0x2  }
0xbc: {  	s3 =	sand.u32 $0x4000, s31;
	s1 =	sadd.s32 s1, s30  }
0xbd: {  	s0 =	sor.u32 s3, s0;
	s1 =	sshll.u32 s1, $0x11  }
0xbe: {  	s0 =	sor.u32 s1, s0  }
0xbf: {  	s0 =	sadd.s32 $0x8F2B, s0  }
0xc0: {  	[sflag:s0] =	ssyncadd.remote.s32 $0x1  }
0xc1: {  	_ =	sfence.sel $0xFFFF  }
0xc2: {  	[dreg:$0x0] =	wrdreg $0xFFFFFFFF;
	(pc) =	sbr.abs _section_cstart, $3  }
0xc3: {  	[dreg:$0x1] =	wrdreg $0xFFFFFFFF  }
0xc4: {  	_ =	task.clear_ibuf [dreg:s9], $0x2FFFF;
	_ =	strace $0x9FFFFFFF  }
0xc5: {  	(tm) =	ssettm $0x7FFFFFFF  }
tec
execute0_lowered:
.L_overlay_start_1:
0x0: {  	(tag) =	ssettag $0x1  }
0x1: {  	s0 =	rddreg [dreg:$0x0]  }
0x2: {  	s1 =	rddreg [dreg:$0x1]  }
0x3: {  	s2 =	rddreg [dreg:$0x2];
	s3 =	simm.s32 $0x0  }
0x4: {  	s4 =	srdreg.scid;
	s8 =	stileid.u32;
	s11 =	simm.s32 $0x200  }
0x5: {  	s12 =	simm.s32 $0xF;
	s16 =	simm.s32 $0x17200;
	s17 =	simm.s32 $0x17A00  }
0x6: {  	s18 =	simm.s32 $0xC;
	s19 =	simm.s32 $0xD;
	s20 =	simm.s32 $0xE  }
0x7: {  	s21 =	simm.s32 $0x8;
	s22 =	simm.s32 $0x9;
	s23 =	simm.s32 $0xA  }
0x8: {  	s24 =	simm.s32 $0xB;
	s25 =	simm.s32 $0x0;
	[smem:$0x7FF] =	sst s3  }
0x9: {  	s4 =	sand.u32 $0x1, s4;
	s6 =	sshll.u32 s8, $0x1;
	s8 =	sshrl.u32 s8, $0x2  }
0xa: {  	_ =	strace $0x80000047;
	s5 =	ssub.s32 $0x2, s4;
	s6 =	sand.u32 $0x6, s6  }
0xb: {  	s29 =	sshll.u32 s8, $0x4;
	s31 =	sshll.u32 s8, $0x13;
	s7 =	sshrl.u32 s5, $0x1  }
0xc: {  	s4 =	sor.u32 s4, s6;
	s0 =	sadd.s32 s0, s29;
	s6 =	sadd.s32 $0x200, s1  }
0xd: {  	v2 =	vlaneseq.u32;
	s9 =	ssub.s32 s5, s7;
	s10 =	sshll.u32 s4, $0x10;
	s4 =	sshll.u32 s4, $0x8  }
0xe: {  	vm0 =	vmmov $0xffff;
	v1 =	vshrl.u32 v2, $0x3;
	s5 =	sadd.s32 $0x100, s1;
	s7 =	sadd.s32 $0x300, s1;
	s30 =	sadd.s32 s10, s2  }
0xf: {  	v0 =	vand.u32 $0x7, v2;
	v2 =	vor.u32 $0x8, v2;
	v1 =	vmul.u32 $0x8, v1;
	s4 =	sadd.s32 s4, s0;
	s9 =	smax.u32 s9, $0x1;
	s8 =	sadd.s32 s30, s31  }
.LBB2_1:
0x10: {  	s0 =	simm.s32 $0x80  }
0x11: {  	[tilespmem:s3], [sflag:$0xF] =	stream.strided.gather [hbm4b:s4+s0], $0x200, s11, s0, $0x38;
	[tilespmem:$0x1C200] =	vst v63  }
0x12: {  	_ =	swait.ge [sflag:s12], $0x200  }
0x13: {  	[sflag:s12] =	ssyncset.done $0x0  }
0x14: {  	[sflag:s12] =	ssyncadd.s32 $0xFFFFFE00  }
0x15: {  	v3 =	vld [tilespmem:$0x0];
	_ =	sdelay $0x4  }
0x16: {  	v4 =	vshll.u32 v3, $0x3  }
0x17: {  	v3 =	vand.u32 $0x7, v3;
	v4 =	vand.u32 $0xFFFFFFC0, v4  }
0x18: {  	v3 =	vor.u32 v3, v4  }
0x19: {  	v4 =	vperm.xlane v3, v0;
	_ =	sdelay $0x1  }
0x1a: {  	v4 =	vadd.s32 v1, v4;
	_ =	sdelay $0x4  }
0x1b: {  	[tilespmem:s11], [sflag:$0x1] =	stream.indirect_vreg.gather [hbm4b:s1+s3], $0x80, v4, vm0, $0xb8;
	[tilespmem:$0x1C200] =	vst v63  }
0x1c: {  	s2 =	simm.s32 $0xA00;
	v3 =	vperm.xlane v3, v2  }
0x1d: {  	[tilespmem:s2], [sflag:$0x1] =	stream.indirect_vreg.gather [hbm4b:s5+s3], $0x80, v4, vm0, $0xb8;
	[tilespmem:$0x1C200] =	vst v63  }
0x1e: {  	s10 =	simm.s32 $0x1200;
	v3 =	vadd.s32 v1, v3  }
0x1f: {  	[tilespmem:s10], [sflag:$0x1] =	stream.indirect_vreg.gather [hbm4b:s6+s3], $0x80, v4, vm0, $0xb8;
	[tilespmem:$0x1C200] =	vst v63  }
0x20: {  	s13 =	simm.s32 $0x1A00  }
0x21: {  	[tilespmem:s13], [sflag:$0x1] =	stream.indirect_vreg.gather [hbm4b:s7+s3], $0x80, v4, vm0, $0xb8;
	[tilespmem:$0x1C200] =	vst v63  }
0x22: {  	s14 =	simm.s32 $0x2200  }
0x23: {  	[tilespmem:s14], [sflag:$0x1] =	stream.indirect_vreg.gather [hbm4b:s1+s3], $0x80, v3, vm0, $0xb8;
	[tilespmem:$0x1C200] =	vst v63  }
0x24: {  	s15 =	simm.s32 $0x2A00  }
0x25: {  	[tilespmem:s15], [sflag:$0x1] =	stream.indirect_vreg.gather [hbm4b:s5+s3], $0x80, v3, vm0, $0xb8;
	[tilespmem:$0x1C200] =	vst v63  }
0x26: {  	s26 =	simm.s32 $0x3200  }
0x27: {  	[tilespmem:s26], [sflag:$0x1] =	stream.indirect_vreg.gather [hbm4b:s6+s3], $0x80, v3, vm0, $0xb8;
	[tilespmem:$0x1C200] =	vst v63  }
0x28: {  	s29 =	simm.s32 $0x3A00  }
0x29: {  	[tilespmem:s29], [sflag:$0x1] =	stream.indirect_vreg.gather [hbm4b:s7+s3], $0x80, v3, vm0, $0xb8;
	[tilespmem:$0x1C200] =	vst v63  }
0x2a: {  	v3 =	vld [tilespmem:$0x10];
	_ =	sdelay $0x4  }
0x2b: {  	v59 =	vshll.u32 v3, $0x3  }
0x2c: {  	v3 =	vand.u32 $0x7, v3;
	v4 =	vand.u32 $0xFFFFFFC0, v59  }
0x2d: {  	v3 =	vor.u32 v3, v4  }
0x2e: {  	v4 =	vperm.xlane v3, v0;
	_ =	sdelay $0x1  }
0x2f: {  	v4 =	vadd.s32 v1, v4;
	_ =	sdelay $0x3  }
0x30: {  	s30 =	simm.s32 $0x4200  }
0x31: {  	[tilespmem:s30], [sflag:$0x2] =	stream.indirect_vreg.gather [hbm4b:s1+s3], $0x80, v4, vm0, $0xb8;
	[tilespmem:$0x1C200] =	vst v63  }
0x32: {  	s31 =	simm.s32 $0x4A00;
	v3 =	vperm.xlane v3, v2  }
0x33: {  	[tilespmem:s31], [sflag:$0x2] =	stream.indirect_vreg.gather [hbm4b:s5+s3], $0x80, v4, vm0, $0xb8;
	[tilespmem:$0x1C200] =	vst v63  }
0x34: {  	s2 =	simm.s32 $0x5200;
	v3 =	vadd.s32 v1, v3  }
0x35: {  	[tilespmem:s2], [sflag:$0x2] =	stream.indirect_vreg.gather [hbm4b:s6+s3], $0x80, v4, vm0, $0xb8;
	[tilespmem:$0x1C200] =	vst v63  }
0x36: {  	s10 =	simm.s32 $0x5A00  }
0x37: {  	[tilespmem:s10], [sflag:$0x2] =	stream.indirect_vreg.gather [hbm4b:s7+s3], $0x80, v4, vm0, $0xb8;
	[tilespmem:$0x1C200] =	vst v63  }
0x38: {  	s13 =	simm.s32 $0x6200  }
0x39: {  	[tilespmem:s13], [sflag:$0x2] =	stream.indirect_vreg.gather [hbm4b:s1+s3], $0x80, v3, vm0, $0xb8;
	[tilespmem:$0x1C200] =	vst v63  }
0x3a: {  	s14 =	simm.s32 $0x6A00  }
0x3b: {  	[tilespmem:s14], [sflag:$0x2] =	stream.indirect_vreg.gather [hbm4b:s5+s3], $0x80, v3, vm0, $0xb8;
	[tilespmem:$0x1C200] =	vst v63  }
0x3c: {  	s15 =	simm.s32 $0x7200  }
0x3d: {  	[tilespmem:s15], [sflag:$0x2] =	stream.indirect_vreg.gather [hbm4b:s6+s3], $0x80, v3, vm0, $0xb8;
	[tilespmem:$0x1C200] =	vst v63  }
0x3e: {  	s26 =	simm.s32 $0x7A00  }
0x3f: {  	[tilespmem:s26], [sflag:$0x2] =	stream.indirect_vreg.gather [hbm4b:s7+s3], $0x80, v3, vm0, $0xb8;
	[tilespmem:$0x1C200] =	vst v63  }
0x40: {  	v3 =	vld [tilespmem:$0x20];
	_ =	sdelay $0x4  }
0x41: {  	v60 =	vshll.u32 v3, $0x3  }
0x42: {  	v3 =	vand.u32 $0x7, v3;
	v4 =	vand.u32 $0xFFFFFFC0, v60  }
0x43: {  	v3 =	vor.u32 v3, v4  }
0x44: {  	v4 =	vperm.xlane v3, v0;
	_ =	sdelay $0x1  }
0x45: {  	v4 =	vadd.s32 v1, v4;
	_ =	sdelay $0x3  }
0x46: {  	s29 =	simm.s32 $0x8200  }
0x47: {  	[tilespmem:s29], [sflag:$0x3] =	stream.indirect_vreg.gather [hbm4b:s1+s3], $0x80, v4, vm0, $0xb8;
	[tilespmem:$0x1C200] =	vst v63  }
0x48: {  	s30 =	simm.s32 $0x8A00;
	v3 =	vperm.xlane v3, v2  }
0x49: {  	[tilespmem:s30], [sflag:$0x3] =	stream.indirect_vreg.gather [hbm4b:s5+s3], $0x80, v4, vm0, $0xb8;
	[tilespmem:$0x1C200] =	vst v63  }
0x4a: {  	s31 =	simm.s32 $0x9200;
	v3 =	vadd.s32 v1, v3  }
0x4b: {  	[tilespmem:s31], [sflag:$0x3] =	stream.indirect_vreg.gather [hbm4b:s6+s3], $0x80, v4, vm0, $0xb8;
	[tilespmem:$0x1C200] =	vst v63  }
0x4c: {  	s2 =	simm.s32 $0x9A00  }
0x4d: {  	[tilespmem:s2], [sflag:$0x3] =	stream.indirect_vreg.gather [hbm4b:s7+s3], $0x80, v4, vm0, $0xb8;
	[tilespmem:$0x1C200] =	vst v63  }
0x4e: {  	s10 =	simm.s32 $0xA200  }
0x4f: {  	[tilespmem:s10], [sflag:$0x3] =	stream.indirect_vreg.gather [hbm4b:s1+s3], $0x80, v3, vm0, $0xb8;
	[tilespmem:$0x1C200] =	vst v63  }
0x50: {  	s13 =	simm.s32 $0xAA00  }
0x51: {  	[tilespmem:s13], [sflag:$0x3] =	stream.indirect_vreg.gather [hbm4b:s5+s3], $0x80, v3, vm0, $0xb8;
	[tilespmem:$0x1C200] =	vst v63  }
0x52: {  	s14 =	simm.s32 $0xB200  }
0x53: {  	[tilespmem:s14], [sflag:$0x3] =	stream.indirect_vreg.gather [hbm4b:s6+s3], $0x80, v3, vm0, $0xb8;
	[tilespmem:$0x1C200] =	vst v63  }
0x54: {  	s15 =	simm.s32 $0xBA00  }
0x55: {  	[tilespmem:s15], [sflag:$0x3] =	stream.indirect_vreg.gather [hbm4b:s7+s3], $0x80, v3, vm0, $0xb8;
	[tilespmem:$0x1C200] =	vst v63  }
0x56: {  	v3 =	vld [tilespmem:$0x30];
	_ =	sdelay $0x4  }
0x57: {  	v61 =	vshll.u32 v3, $0x3  }
0x58: {  	v3 =	vand.u32 $0x7, v3;
	v4 =	vand.u32 $0xFFFFFFC0, v61  }
0x59: {  	v3 =	vor.u32 v3, v4  }
0x5a: {  	v4 =	vperm.xlane v3, v0;
	_ =	sdelay $0x1  }
0x5b: {  	v4 =	vadd.s32 v1, v4;
	_ =	sdelay $0x3  }
0x5c: {  	s26 =	simm.s32 $0xC200  }
0x5d: {  	[tilespmem:s26], [sflag:$0x4] =	stream.indirect_vreg.gather [hbm4b:s1+s3], $0x80, v4, vm0, $0xb8;
	[tilespmem:$0x1C200] =	vst v63  }
0x5e: {  	s29 =	simm.s32 $0xCA00;
	v3 =	vperm.xlane v3, v2  }
0x5f: {  	[tilespmem:s29], [sflag:$0x4] =	stream.indirect_vreg.gather [hbm4b:s5+s3], $0x80, v4, vm0, $0xb8;
	[tilespmem:$0x1C200] =	vst v63  }
0x60: {  	s30 =	simm.s32 $0xD200;
	v3 =	vadd.s32 v1, v3  }
0x61: {  	[tilespmem:s30], [sflag:$0x4] =	stream.indirect_vreg.gather [hbm4b:s6+s3], $0x80, v4, vm0, $0xb8;
	[tilespmem:$0x1C200] =	vst v63  }
0x62: {  	s31 =	simm.s32 $0xDA00  }
0x63: {  	[tilespmem:s31], [sflag:$0x4] =	stream.indirect_vreg.gather [hbm4b:s7+s3], $0x80, v4, vm0, $0xb8;
	[tilespmem:$0x1C200] =	vst v63  }
0x64: {  	s2 =	simm.s32 $0xE200  }
0x65: {  	[tilespmem:s2], [sflag:$0x4] =	stream.indirect_vreg.gather [hbm4b:s1+s3], $0x80, v3, vm0, $0xb8;
	[tilespmem:$0x1C200] =	vst v63  }
0x66: {  	s10 =	simm.s32 $0xEA00  }
0x67: {  	[tilespmem:s10], [sflag:$0x4] =	stream.indirect_vreg.gather [hbm4b:s5+s3], $0x80, v3, vm0, $0xb8;
	[tilespmem:$0x1C200] =	vst v63  }
0x68: {  	s13 =	simm.s32 $0xF200  }
0x69: {  	[tilespmem:s13], [sflag:$0x4] =	stream.indirect_vreg.gather [hbm4b:s6+s3], $0x80, v3, vm0, $0xb8;
	[tilespmem:$0x1C200] =	vst v63  }
0x6a: {  	s14 =	simm.s32 $0xFA00  }
0x6b: {  	[tilespmem:s14], [sflag:$0x4] =	stream.indirect_vreg.gather [hbm4b:s7+s3], $0x80, v3, vm0, $0xb8;
	[tilespmem:$0x1C200] =	vst v63  }
0x6c: {  	v3 =	vld [tilespmem:$0x40];
	_ =	sdelay $0x4  }
0x6d: {  	v62 =	vshll.u32 v3, $0x3  }
0x6e: {  	v3 =	vand.u32 $0x7, v3;
	v4 =	vand.u32 $0xFFFFFFC0, v62  }
0x6f: {  	v3 =	vor.u32 v3, v4  }
0x70: {  	v4 =	vperm.xlane v3, v0;
	_ =	sdelay $0x1  }
0x71: {  	v4 =	vadd.s32 v1, v4;
	_ =	sdelay $0x3  }
0x72: {  	s15 =	simm.s32 $0x10200  }
0x73: {  	[tilespmem:s15], [sflag:$0x5] =	stream.indirect_vreg.gather [hbm4b:s1+s3], $0x80, v4, vm0, $0xb8;
	[tilespmem:$0x1C200] =	vst v63  }
0x74: {  	s26 =	simm.s32 $0x10A00;
	v3 =	vperm.xlane v3, v2  }
0x75: {  	[tilespmem:s26], [sflag:$0x5] =	stream.indirect_vreg.gather [hbm4b:s5+s3], $0x80, v4, vm0, $0xb8;
	[tilespmem:$0x1C200] =	vst v63  }
0x76: {  	s29 =	simm.s32 $0x11200;
	v3 =	vadd.s32 v1, v3  }
0x77: {  	[tilespmem:s29], [sflag:$0x5] =	stream.indirect_vreg.gather [hbm4b:s6+s3], $0x80, v4, vm0, $0xb8;
	[tilespmem:$0x1C200] =	vst v63  }
0x78: {  	s30 =	simm.s32 $0x11A00  }
0x79: {  	[tilespmem:s30], [sflag:$0x5] =	stream.indirect_vreg.gather [hbm4b:s7+s3], $0x80, v4, vm0, $0xb8;
	[tilespmem:$0x1C200] =	vst v63  }
0x7a: {  	s31 =	simm.s32 $0x12200  }
0x7b: {  	[tilespmem:s31], [sflag:$0x5] =	stream.indirect_vreg.gather [hbm4b:s1+s3], $0x80, v3, vm0, $0xb8;
	[tilespmem:$0x1C200] =	vst v63  }
0x7c: {  	s2 =	simm.s32 $0x12A00  }
0x7d: {  	[tilespmem:s2], [sflag:$0x5] =	stream.indirect_vreg.gather [hbm4b:s5+s3], $0x80, v3, vm0, $0xb8;
	[tilespmem:$0x1C200] =	vst v63  }
0x7e: {  	s10 =	simm.s32 $0x13200  }
0x7f: {  	[tilespmem:s10], [sflag:$0x5] =	stream.indirect_vreg.gather [hbm4b:s6+s3], $0x80, v3, vm0, $0xb8;
	[tilespmem:$0x1C200] =	vst v63  }
0x80: {  	s13 =	simm.s32 $0x13A00  }
0x81: {  	[tilespmem:s13], [sflag:$0x5] =	stream.indirect_vreg.gather [hbm4b:s7+s3], $0x80, v3, vm0, $0xb8;
	[tilespmem:$0x1C200] =	vst v63  }
0x82: {  	v3 =	vld [tilespmem:$0x50];
	_ =	sdelay $0x4  }
0x83: {  	v63 =	vshll.u32 v3, $0x3  }
0x84: {  	v3 =	vand.u32 $0x7, v3;
	v4 =	vand.u32 $0xFFFFFFC0, v63  }
0x85: {  	v3 =	vor.u32 v3, v4  }
0x86: {  	v4 =	vperm.xlane v3, v0;
	_ =	sdelay $0x1  }
0x87: {  	v4 =	vadd.s32 v1, v4;
	_ =	sdelay $0x3  }
0x88: {  	s14 =	simm.s32 $0x14200  }
0x89: {  	[tilespmem:s14], [sflag:$0x6] =	stream.indirect_vreg.gather [hbm4b:s1+s3], $0x80, v4, vm0, $0xb8;
	[tilespmem:$0x1C200] =	vst v63  }
0x8a: {  	s15 =	simm.s32 $0x14A00;
	v3 =	vperm.xlane v3, v2  }
0x8b: {  	[tilespmem:s15], [sflag:$0x6] =	stream.indirect_vreg.gather [hbm4b:s5+s3], $0x80, v4, vm0, $0xb8;
	[tilespmem:$0x1C200] =	vst v63  }
0x8c: {  	s26 =	simm.s32 $0x15200;
	v3 =	vadd.s32 v1, v3  }
0x8d: {  	[tilespmem:s26], [sflag:$0x6] =	stream.indirect_vreg.gather [hbm4b:s6+s3], $0x80, v4, vm0, $0xb8;
	[tilespmem:$0x1C200] =	vst v63  }
0x8e: {  	s29 =	simm.s32 $0x15A00  }
0x8f: {  	[tilespmem:s29], [sflag:$0x6] =	stream.indirect_vreg.gather [hbm4b:s7+s3], $0x80, v4, vm0, $0xb8;
	[tilespmem:$0x1C200] =	vst v63  }
0x90: {  	s30 =	simm.s32 $0x16200  }
0x91: {  	[tilespmem:s30], [sflag:$0x6] =	stream.indirect_vreg.gather [hbm4b:s1+s3], $0x80, v3, vm0, $0xb8;
	[tilespmem:$0x1C200] =	vst v63  }
0x92: {  	s31 =	simm.s32 $0x16A00  }
0x93: {  	[tilespmem:s31], [sflag:$0x6] =	stream.indirect_vreg.gather [hbm4b:s5+s3], $0x80, v3, vm0, $0xb8;
	[tilespmem:$0x1C200] =	vst v63  }
0x94: {  	_ = 	snop  }
0x95: {  	[tilespmem:s16], [sflag:$0x6] =	stream.indirect_vreg.gather [hbm4b:s6+s3], $0x80, v3, vm0, $0xb8;
	[tilespmem:$0x1C200] =	vst v63  }
0x96: {  	s28 =	simm.s32 $0x0;
	s26 =	simm.s32 $0x0  }
0x97: {  	[tilespmem:s17], [sflag:$0x6] =	stream.indirect_vreg.gather [hbm4b:s7+s3], $0x80, v3, vm0, $0xb8;
	[tilespmem:$0x1C200] =	vst v63  }
.LBB2_2:
0x98: {  	s30 =	sshll.u32 s28, $0xE  }
0x99: {  	v3 =	vmov s30  }
0x9a: {  	s29 =	sadd.s32 $0x1, s28  }
0x9b: {  	s0 =	simm.s32 $0x0;
	_ =	swait.ge [sflag:s29], $0x4000  }
0x9c: {  	s2 =	sand.u32 $0x2000, s0;
	s0 =	sand.u32 $0x380, s0;
	[sflag:s29] =	ssyncset.done $0x0  }
0x9d: {  	s0 =	sor.u32 s0, s2;
	[sflag:s29] =	ssyncadd.s32 $0xFFFFC000  }
0x9e: {  	v4 =	vld.idx.msk [tilespmem:v3+s0+$0x1600 ss:$0x1], $0xffff  }
0x9f: {  	v5 =	vld.idx.msk [tilespmem:v3+s0+$0x200 ss:$0x1], $0xffff  }
0xa0: {  	v6 =	vld.idx.msk [tilespmem:v3+s0+$0x1A00 ss:$0x1], $0xffff  }
0xa1: {  	v7 =	vld.idx.msk [tilespmem:v3+s0+$0x1200 ss:$0x1], $0xffff  }
0xa2: {  	v8 =	vld.idx.msk [tilespmem:v3+s0+$0xE00 ss:$0x1], $0xffff  }
0xa3: {  	v4 =	vmul.f32 $3.200000000e+01, v4  }
0xa4: {  	v5 =	vmul.f32 $3.200000000e+01, v5  }
0xa5: {  	v9 =	vld.idx.msk [tilespmem:v3+s0+$0x600 ss:$0x1], $0xffff;
	[tilespmem:v3+s0+$0x1600 ss:$0x1] =	vst.idx.msk $0xffff, v4;
	v4 =	vmul.f32 $3.200000000e+01, v6  }
0xa6: {  	v6 =	vmul.f32 $3.200000000e+01, v7;
	[tilespmem:v3+s0+$0x200 ss:$0x1] =	vst.idx.msk $0xffff, v5;
	v7 =	vld.idx.msk [tilespmem:v3+s0+$0x1610 ss:$0x1], $0xffff  }
0xa7: {  	v5 =	vmul.f32 $3.200000000e+01, v8;
	v8 =	vld.idx.msk [tilespmem:v3+s0+$0x210 ss:$0x1], $0xffff;
	[tilespmem:v3+s0+$0x1A00 ss:$0x1] =	vst.idx.msk $0xffff, v4  }
0xa8: {  	[tilespmem:v3+s0+$0x1200 ss:$0x1] =	vst.idx.msk $0xffff, v6;
	v4 =	vld.idx.msk [tilespmem:v3+s0+$0x1A10 ss:$0x1], $0xffff  }
0xa9: {  	[tilespmem:v3+s0+$0xE00 ss:$0x1] =	vst.idx.msk $0xffff, v5;
	v5 =	vld.idx.msk [tilespmem:v3+s0+$0x1210 ss:$0x1], $0xffff  }
0xaa: {  	v6 =	vmul.f32 $3.200000000e+01, v9;
	v9 =	vld.idx.msk [tilespmem:v3+s0+$0xE10 ss:$0x1], $0xffff  }
0xab: {  	v10 =	vld.idx.msk [tilespmem:v3+s0+$0xA00 ss:$0x1], $0xffff;
	v7 =	vmul.f32 $3.200000000e+01, v7  }
0xac: {  	v11 =	vld.idx.msk [tilespmem:v3+s0+$0x1E00 ss:$0x1], $0xffff;
	[tilespmem:v3+s0+$0x600 ss:$0x1] =	vst.idx.msk $0xffff, v6;
	v8 =	vmul.f32 $3.200000000e+01, v8  }
0xad: {  	v6 =	vld.idx.msk [tilespmem:v3+s0+$0x610 ss:$0x1], $0xffff;
	v4 =	vmul.f32 $3.200000000e+01, v4;
	[tilespmem:v3+s0+$0x1610 ss:$0x1] =	vst.idx.msk $0xffff, v7  }
0xae: {  	[tilespmem:v3+s0+$0x210 ss:$0x1] =	vst.idx.msk $0xffff, v8;
	v5 =	vmul.f32 $3.200000000e+01, v5;
	v7 =	vld.idx.msk [tilespmem:v3+s0+$0x1620 ss:$0x1], $0xffff  }
0xaf: {  	v8 =	vld.idx.msk [tilespmem:v3+s0+$0x220 ss:$0x1], $0xffff;
	[tilespmem:v3+s0+$0x1A10 ss:$0x1] =	vst.idx.msk $0xffff, v4;
	v4 =	vmul.f32 $3.200000000e+01, v9  }
0xb0: {  	[tilespmem:v3+s0+$0x1210 ss:$0x1] =	vst.idx.msk $0xffff, v5;
	v5 =	vmul.f32 $3.200000000e+01, v10;
	v9 =	vld.idx.msk [tilespmem:v3+s0+$0x1A20 ss:$0x1], $0xffff  }
0xb1: {  	v10 =	vld.idx.msk [tilespmem:v3+s0+$0x1220 ss:$0x1], $0xffff;
	[tilespmem:v3+s0+$0xE10 ss:$0x1] =	vst.idx.msk $0xffff, v4;
	v4 =	vmul.f32 $3.200000000e+01, v11  }
0xb2: {  	v6 =	vmul.f32 $3.200000000e+01, v6;
	[tilespmem:v3+s0+$0xA00 ss:$0x1] =	vst.idx.msk $0xffff, v5;
	v5 =	vld.idx.msk [tilespmem:v3+s0+$0xE20 ss:$0x1], $0xffff  }
0xb3: {  	v11 =	vld.idx.msk [tilespmem:v3+s0+$0xA10 ss:$0x1], $0xffff;
	v7 =	vmul.f32 $3.200000000e+01, v7;
	[tilespmem:v3+s0+$0x1E00 ss:$0x1] =	vst.idx.msk $0xffff, v4  }
0xb4: {  	[tilespmem:v3+s0+$0x610 ss:$0x1] =	vst.idx.msk $0xffff, v6;
	v4 =	vmul.f32 $3.200000000e+01, v8;
	v8 =	vld.idx.msk [tilespmem:v3+s0+$0x1E10 ss:$0x1], $0xffff  }
0xb5: {  	v6 =	vmul.f32 $3.200000000e+01, v9;
	[tilespmem:v3+s0+$0x1620 ss:$0x1] =	vst.idx.msk $0xffff, v7;
	v7 =	vld.idx.msk [tilespmem:v3+s0+$0x620 ss:$0x1], $0xffff  }
0xb6: {  	[tilespmem:v3+s0+$0x220 ss:$0x1] =	vst.idx.msk $0xffff, v4;
	v4 =	vmul.f32 $3.200000000e+01, v10;
	v9 =	vld.idx.msk [tilespmem:v3+s0+$0x1630 ss:$0x1], $0xffff  }
0xb7: {  	v10 =	vld.idx.msk [tilespmem:v3+s0+$0x230 ss:$0x1], $0xffff;
	[tilespmem:v3+s0+$0x1A20 ss:$0x1] =	vst.idx.msk $0xffff, v6;
	v5 =	vmul.f32 $3.200000000e+01, v5  }
0xb8: {  	v6 =	vmul.f32 $3.200000000e+01, v11;
	[tilespmem:v3+s0+$0x1220 ss:$0x1] =	vst.idx.msk $0xffff, v4;
	v11 =	vld.idx.msk [tilespmem:v3+s0+$0x1A30 ss:$0x1], $0xffff  }
0xb9: {  	v4 =	vld.idx.msk [tilespmem:v3+s0+$0x1230 ss:$0x1], $0xffff;
	[tilespmem:v3+s0+$0xE20 ss:$0x1] =	vst.idx.msk $0xffff, v5;
	v5 =	vmul.f32 $3.200000000e+01, v8  }
0xba: {  	[tilespmem:v3+s0+$0xA10 ss:$0x1] =	vst.idx.msk $0xffff, v6;
	v6 =	vld.idx.msk [tilespmem:v3+s0+$0xE30 ss:$0x1], $0xffff;
	v7 =	vmul.f32 $3.200000000e+01, v7  }
0xbb: {  	[tilespmem:v3+s0+$0x1E10 ss:$0x1] =	vst.idx.msk $0xffff, v5;
	v5 =	vld.idx.msk [tilespmem:v3+s0+$0xA20 ss:$0x1], $0xffff;
	v8 =	vmul.f32 $3.200000000e+01, v9  }
0xbc: {  	v9 =	vmul.f32 $3.200000000e+01, v10;
	v10 =	vld.idx.msk [tilespmem:v3+s0+$0x1E20 ss:$0x1], $0xffff;
	[tilespmem:v3+s0+$0x620 ss:$0x1] =	vst.idx.msk $0xffff, v7  }
0xbd: {  	s15 =	simm.s32 $0x400;
	s10 =	simm.s32 $0x80;
	[tilespmem:v3+s0+$0x1630 ss:$0x1] =	vst.idx.msk $0xffff, v8;
	v7 =	vld.idx.msk [tilespmem:v3+s0+$0x630 ss:$0x1], $0xffff  }
0xbe: {  	s10 =	sand.u32 $0x380, s10;
	s2 =	sand.u32 $0x2000, s15;
	[tilespmem:v3+s0+$0x230 ss:$0x1] =	vst.idx.msk $0xffff, v9;
	v4 =	vmul.f32 $3.200000000e+01, v4;
	v8 =	vld.idx.msk [tilespmem:v3+s0+$0x1640 ss:$0x1], $0xffff  }
0xbf: {  	s31 =	sor.u32 s10, s2;
	v9 =	vld.idx.msk [tilespmem:v3+s0+$0x240 ss:$0x1], $0xffff  }
0xc0: {  	v12 =	vld.idx.msk [tilespmem:v3+s31+$0x200 ss:$0x1], $0xffff;
	v6 =	vmul.f32 $3.200000000e+01, v6;
	[tilespmem:v3+s0+$0x1230 ss:$0x1] =	vst.idx.msk $0xffff, v4  }
0xc1: {  	v5 =	vmul.f32 $3.200000000e+01, v5;
	v4 =	vld.idx.msk [tilespmem:v3+s31+$0x1200 ss:$0x1], $0xffff  }
0xc2: {  	v15 =	vld.idx.msk [tilespmem:v3+s0+$0x1240 ss:$0x1], $0xffff;
	[tilespmem:v3+s0+$0xE30 ss:$0x1] =	vst.idx.msk $0xffff, v6;
	v6 =	vmul.f32 $3.200000000e+01, v11  }
0xc3: {  	v11 =	vld.idx.msk [tilespmem:v3+s31+$0x1600 ss:$0x1], $0xffff;
	v10 =	vmul.f32 $3.200000000e+01, v10;
	[tilespmem:v3+s0+$0xA20 ss:$0x1] =	vst.idx.msk $0xffff, v5  }
0xc4: {  	v5 =	vld.idx.msk [tilespmem:v3+s31+$0xE00 ss:$0x1], $0xffff;
	v7 =	vmul.f32 $3.200000000e+01, v7;
	[tilespmem:v3+s0+$0x1A30 ss:$0x1] =	vst.idx.msk $0xffff, v6  }
0xc5: {  	v13 =	vld.idx.msk [tilespmem:v3+s0+$0xA30 ss:$0x1], $0xffff;
	[tilespmem:v3+s0+$0x1E20 ss:$0x1] =	vst.idx.msk $0xffff, v10  }
0xc6: {  	[tilespmem:v3+s0+$0x630 ss:$0x1] =	vst.idx.msk $0xffff, v7;
	v6 =	vld.idx.msk [tilespmem:v3+s0+$0x1A40 ss:$0x1], $0xffff;
	v7 =	vmul.f32 $3.200000000e+01, v8  }
0xc7: {  	v9 =	vmul.f32 $3.200000000e+01, v9;
	v10 =	vld.idx.msk [tilespmem:v3+s0+$0x1E30 ss:$0x1], $0xffff  }
0xc8: {  	v8 =	vld.idx.msk [tilespmem:v3+s31+$0x600 ss:$0x1], $0xffff;
	[tilespmem:v3+s0+$0x1640 ss:$0x1] =	vst.idx.msk $0xffff, v7  }
0xc9: {  	[tilespmem:v3+s0+$0x240 ss:$0x1] =	vst.idx.msk $0xffff, v9;
	v9 =	vmul.f32 $3.200000000e+01, v11;
	v14 =	vld.idx.msk [tilespmem:v3+s0+$0x1650 ss:$0x1], $0xffff  }
0xca: {  	v7 =	vld.idx.msk [tilespmem:v3+s0+$0x640 ss:$0x1], $0xffff;
	v13 =	vmul.f32 $3.200000000e+01, v13  }
0xcb: {  	v4 =	vmul.f32 $3.200000000e+01, v4;
	v11 =	vld.idx.msk [tilespmem:v3+s0+$0xE40 ss:$0x1], $0xffff;
	[tilespmem:v3+s31+$0x1600 ss:$0x1] =	vst.idx.msk $0xffff, v9  }
0xcc: {  	v6 =	vmul.f32 $3.200000000e+01, v6;
	[tilespmem:v3+s0+$0xA30 ss:$0x1] =	vst.idx.msk $0xffff, v13;
	v13 =	vld.idx.msk [tilespmem:v3+s31+$0x1610 ss:$0x1], $0xffff  }
0xcd: {  	v15 =	vmul.f32 $3.200000000e+01, v15;
	[tilespmem:v3+s31+$0x1200 ss:$0x1] =	vst.idx.msk $0xffff, v4;
	v9 =	vld.idx.msk [tilespmem:v3+s0+$0xA40 ss:$0x1], $0xffff  }
0xce: {  	[tilespmem:v3+s0+$0x1A40 ss:$0x1] =	vst.idx.msk $0xffff, v6;
	v6 =	vld.idx.msk [tilespmem:v3+s31+$0xA00 ss:$0x1], $0xffff;
	v4 =	vmul.f32 $3.200000000e+01, v14  }
0xcf: {  	[tilespmem:v3+s0+$0x1240 ss:$0x1] =	vst.idx.msk $0xffff, v15;
	v8 =	vmul.f32 $3.200000000e+01, v8;
	v14 =	vld.idx.msk [tilespmem:v3+s31+$0x1A00 ss:$0x1], $0xffff  }
0xd0: {  	v15 =	vld.idx.msk [tilespmem:v3+s0+$0x1A50 ss:$0x1], $0xffff;
	[tilespmem:v3+s0+$0x1650 ss:$0x1] =	vst.idx.msk $0xffff, v4;
	v4 =	vmul.f32 $3.200000000e+01, v10  }
0xd1: {  	[tilespmem:v3+s31+$0x600 ss:$0x1] =	vst.idx.msk $0xffff, v8;
	v10 =	vmul.f32 $3.200000000e+01, v12;
	v12 =	vld.idx.msk [tilespmem:v3+s0+$0x250 ss:$0x1], $0xffff  }
0xd2: {  	v9 =	vmul.f32 $3.200000000e+01, v9;
	[tilespmem:v3+s0+$0x1E30 ss:$0x1] =	vst.idx.msk $0xffff, v4;
	v4 =	vmul.f32 $3.200000000e+01, v5;
	v5 =	vld.idx.msk [tilespmem:v3+s0+$0x1250 ss:$0x1], $0xffff  }
0xd3: {  	[tilespmem:v3+s31+$0x200 ss:$0x1] =	vst.idx.msk $0xffff, v10;
	v10 =	vld.idx.msk [tilespmem:v3+s0+$0x1E40 ss:$0x1], $0xffff  }
0xd4: {  	v14 =	vmul.f32 $3.200000000e+01, v14;
	[tilespmem:v3+s0+$0xA40 ss:$0x1] =	vst.idx.msk $0xffff, v9;
	v9 =	vld.idx.msk [tilespmem:v3+s31+$0x210 ss:$0x1], $0xffff  }
0xd5: {  	v7 =	vmul.f32 $3.200000000e+01, v7;
	[tilespmem:v3+s31+$0xE00 ss:$0x1] =	vst.idx.msk $0xffff, v4;
	v4 =	vmul.f32 $3.200000000e+01, v11;
	v11 =	vld.idx.msk [tilespmem:v3+s31+$0x1210 ss:$0x1], $0xffff  }
0xd6: {  	[tilespmem:v3+s31+$0x1A00 ss:$0x1] =	vst.idx.msk $0xffff, v14;
	v14 =	vld.idx.msk [tilespmem:v3+s31+$0x1E00 ss:$0x1], $0xffff  }
0xd7: {  	[tilespmem:v3+s0+$0x640 ss:$0x1] =	vst.idx.msk $0xffff, v7;
	v12 =	vmul.f32 $3.200000000e+01, v12;
	v16 =	vld.idx.msk [tilespmem:v3+s0+$0xA50 ss:$0x1], $0xffff  }
0xd8: {  	[tilespmem:v3+s0+$0xE40 ss:$0x1] =	vst.idx.msk $0xffff, v4;
	v4 =	vmul.f32 $3.200000000e+01, v15;
	v15 =	vld.idx.msk [tilespmem:v3+s31+$0x1A10 ss:$0x1], $0xffff  }
0xd9: {  	v7 =	vld.idx.msk [tilespmem:v3+s0+$0xE50 ss:$0x1], $0xffff;
	v5 =	vmul.f32 $3.200000000e+01, v5;
	[tilespmem:v3+s0+$0x250 ss:$0x1] =	vst.idx.msk $0xffff, v12  }
0xda: {  	v6 =	vmul.f32 $3.200000000e+01, v6;
	[tilespmem:v3+s0+$0x1A50 ss:$0x1] =	vst.idx.msk $0xffff, v4;
	v4 =	vld.idx.msk [tilespmem:v3+s0+$0x650 ss:$0x1], $0xffff  }
0xdb: {  	v9 =	vmul.f32 $3.200000000e+01, v9;
	[tilespmem:v3+s0+$0x1250 ss:$0x1] =	vst.idx.msk $0xffff, v5;
	v5 =	vld.idx.msk [tilespmem:v3+s0+$0x260 ss:$0x1], $0xffff  }
0xdc: {  	[tilespmem:v3+s31+$0xA00 ss:$0x1] =	vst.idx.msk $0xffff, v6;
	v12 =	vld.idx.msk [tilespmem:v3+s0+$0x1A60 ss:$0x1], $0xffff;
	v8 =	vmul.f32 $3.200000000e+01, v11  }
0xdd: {  	[tilespmem:v3+s31+$0x210 ss:$0x1] =	vst.idx.msk $0xffff, v9;
	v9 =	vmul.f32 $3.200000000e+01, v13;
	v13 =	vld.idx.msk [tilespmem:v3+s31+$0xE10 ss:$0x1], $0xffff  }
0xde: {  	v11 =	vmul.f32 $3.200000000e+01, v15;
	v15 =	vld.idx.msk [tilespmem:v3+s0+$0x1260 ss:$0x1], $0xffff;
	[tilespmem:v3+s31+$0x1210 ss:$0x1] =	vst.idx.msk $0xffff, v8  }
0xdf: {  	v8 =	vld.idx.msk [tilespmem:v3+s0+$0x1660 ss:$0x1], $0xffff;
	[tilespmem:v3+s31+$0x1610 ss:$0x1] =	vst.idx.msk $0xffff, v9;
	v4 =	vmul.f32 $3.200000000e+01, v4  }
0xe0: {  	v9 =	vld.idx.msk [tilespmem:v3+s31+$0x220 ss:$0x1], $0xffff;
	[tilespmem:v3+s31+$0x1A10 ss:$0x1] =	vst.idx.msk $0xffff, v11;
	v5 =	vmul.f32 $3.200000000e+01, v5  }
0xe1: {  	v11 =	vld.idx.msk [tilespmem:v3+s31+$0x1620 ss:$0x1], $0xffff;
	v6 =	vmul.f32 $3.200000000e+01, v12;
	[tilespmem:v3+s0+$0x650 ss:$0x1] =	vst.idx.msk $0xffff, v4  }
0xe2: {  	v4 =	vmul.f32 $3.200000000e+01, v10;
	v10 =	vld.idx.msk [tilespmem:v3+s0+$0x660 ss:$0x1], $0xffff;
	[tilespmem:v3+s0+$0x260 ss:$0x1] =	vst.idx.msk $0xffff, v5  }
0xe3: {  	v5 =	vmul.f32 $3.200000000e+01, v7;
	v7 =	vld.idx.msk [tilespmem:v3+s31+$0x1A20 ss:$0x1], $0xffff;
	[tilespmem:v3+s0+$0x1A60 ss:$0x1] =	vst.idx.msk $0xffff, v6  }
0xe4: {  	v12 =	vmul.f32 $3.200000000e+01, v13;
	[tilespmem:v3+s0+$0x1E40 ss:$0x1] =	vst.idx.msk $0xffff, v4;
	v4 =	vld.idx.msk [tilespmem:v3+s31+$0x1220 ss:$0x1], $0xffff  }
0xe5: {  	v14 =	vmul.f32 $3.200000000e+01, v14;
	v6 =	vld.idx.msk [tilespmem:v3+s0+$0x1E50 ss:$0x1], $0xffff;
	[tilespmem:v3+s0+$0xE50 ss:$0x1] =	vst.idx.msk $0xffff, v5  }
0xe6: {  	v5 =	vld.idx.msk [tilespmem:v3+s31+$0xA10 ss:$0x1], $0xffff;
	[tilespmem:v3+s31+$0xE10 ss:$0x1] =	vst.idx.msk $0xffff, v12;
	v12 =	vmul.f32 $3.200000000e+01, v15  }
0xe7: {  	[tilespmem:v3+s31+$0x1E00 ss:$0x1] =	vst.idx.msk $0xffff, v14;
	v9 =	vmul.f32 $3.200000000e+01, v9;
	v13 =	vld.idx.msk [tilespmem:v3+s0+$0xE60 ss:$0x1], $0xffff  }
0xe8: {  	v8 =	vmul.f32 $3.200000000e+01, v8;
	[tilespmem:v3+s0+$0x1260 ss:$0x1] =	vst.idx.msk $0xffff, v12;
	v12 =	vld.idx.msk [tilespmem:v3+s0+$0x1A70 ss:$0x1], $0xffff  }
0xe9: {  	[tilespmem:v3+s31+$0x220 ss:$0x1] =	vst.idx.msk $0xffff, v9;
	v9 =	vmul.f32 $3.200000000e+01, v10;
	v10 =	vld.idx.msk [tilespmem:v3+s31+$0x610 ss:$0x1], $0xffff  }
0xea: {  	[tilespmem:v3+s0+$0x1660 ss:$0x1] =	vst.idx.msk $0xffff, v8;
	v11 =	vmul.f32 $3.200000000e+01, v11;
	v14 =	vld.idx.msk [tilespmem:v3+s31+$0x230 ss:$0x1], $0xffff  }
0xeb: {  	v7 =	vmul.f32 $3.200000000e+01, v7;
	[tilespmem:v3+s0+$0x660 ss:$0x1] =	vst.idx.msk $0xffff, v9;
	v9 =	vld.idx.msk [tilespmem:v3+s31+$0xE20 ss:$0x1], $0xffff  }
0xec: {  	[tilespmem:v3+s31+$0x1620 ss:$0x1] =	vst.idx.msk $0xffff, v11;
	v11 =	vld.idx.msk [tilespmem:v3+s0+$0x270 ss:$0x1], $0xffff;
	v6 =	vmul.f32 $3.200000000e+01, v6  }
0xed: {  	[tilespmem:v3+s31+$0x1A20 ss:$0x1] =	vst.idx.msk $0xffff, v7;
	v7 =	vld.idx.msk [tilespmem:v3+s0+$0x1670 ss:$0x1], $0xffff;
	v5 =	vmul.f32 $3.200000000e+01, v5  }
0xee: {  	v13 =	vmul.f32 $3.200000000e+01, v13;
	[tilespmem:v3+s0+$0x1E50 ss:$0x1] =	vst.idx.msk $0xffff, v6;
	v6 =	vld.idx.msk [tilespmem:v3+s31+$0x1E10 ss:$0x1], $0xffff  }
0xef: {  	[tilespmem:v3+s31+$0xA10 ss:$0x1] =	vst.idx.msk $0xffff, v5;
	v8 =	vmul.f32 $3.200000000e+01, v10;
	v10 =	vld.idx.msk [tilespmem:v3+s0+$0x1E60 ss:$0x1], $0xffff  }
0xf0: {  	[tilespmem:v3+s0+$0xE60 ss:$0x1] =	vst.idx.msk $0xffff, v13;
	v13 =	vld.idx.msk [tilespmem:v3+s0+$0x670 ss:$0x1], $0xffff;
	v9 =	vmul.f32 $3.200000000e+01, v9  }
0xf1: {  	v15 =	vld.idx.msk [tilespmem:v3+s0+$0xE70 ss:$0x1], $0xffff;
	[tilespmem:v3+s31+$0x610 ss:$0x1] =	vst.idx.msk $0xffff, v8;
	v8 =	vmul.f32 $3.200000000e+01, v4  }
0xf2: {  	v5 =	vmul.f32 $3.200000000e+01, v14;
	v4 =	vld.idx.msk [tilespmem:v3+s31+$0x1A30 ss:$0x1], $0xffff;
	[tilespmem:v3+s31+$0xE20 ss:$0x1] =	vst.idx.msk $0xffff, v9  }
0xf3: {  	v9 =	vld.idx.msk [tilespmem:v3+s31+$0x1630 ss:$0x1], $0xffff;
	[tilespmem:v3+s31+$0x1220 ss:$0x1] =	vst.idx.msk $0xffff, v8;
	v8 =	vmul.f32 $3.200000000e+01, v11  }
0xf4: {  	[tilespmem:v3+s31+$0x230 ss:$0x1] =	vst.idx.msk $0xffff, v5;
	v14 =	vld.idx.msk [tilespmem:v3+s31+$0x620 ss:$0x1], $0xffff;
	v6 =	vmul.f32 $3.200000000e+01, v6  }
0xf5: {  	v5 =	vld.idx.msk [tilespmem:v3+s31+$0x1230 ss:$0x1], $0xffff;
	[tilespmem:v3+s0+$0x270 ss:$0x1] =	vst.idx.msk $0xffff, v8;
	v8 =	vmul.f32 $3.200000000e+01, v16  }
0xf6: {  	v7 =	vmul.f32 $3.200000000e+01, v7;
	v63 =	vld.idx.msk [tilespmem:v3+s31+$0xE30 ss:$0x1], $0xffff;
	[tilespmem:v3+s31+$0x1E10 ss:$0x1] =	vst.idx.msk $0xffff, v6  }
0xf7: {  	v6 =	vld.idx.msk [tilespmem:v3+s0+$0x1270 ss:$0x1], $0xffff;
	[tilespmem:v3+s0+$0xA50 ss:$0x1] =	vst.idx.msk $0xffff, v8;
	v8 =	vmul.f32 $3.200000000e+01, v12  }
0xf8: {  	[tilespmem:v3+s0+$0x1670 ss:$0x1] =	vst.idx.msk $0xffff, v7;
	v11 =	vld.idx.msk [tilespmem:v3+s31+$0xA20 ss:$0x1], $0xffff;
	v17 =	vmul.f32 $3.200000000e+01, v9  }
0xf9: {  	v7 =	vmul.f32 $3.200000000e+01, v14;
	v12 =	vld.idx.msk [tilespmem:v3+s0+$0xA60 ss:$0x1], $0xffff;
	[tilespmem:v3+s0+$0x1A70 ss:$0x1] =	vst.idx.msk $0xffff, v8  }
0xfa: {  	v14 =	vmul.f32 $3.200000000e+01, v13;
	v8 =	vmul.f32 $3.200000000e+01, v10;
	v10 =	vld.idx.msk [tilespmem:v3+s31+$0x1E20 ss:$0x1], $0xffff;
	[tilespmem:v3+s31+$0x1630 ss:$0x1] =	vst.idx.msk $0xffff, v17  }
0xfb: {  	s10 =	simm.s32 $0x800;
	s2 =	simm.s32 $0x100;
	v9 =	vmul.f32 $3.200000000e+01, v15;
	[tilespmem:v3+s31+$0x620 ss:$0x1] =	vst.idx.msk $0xffff, v7;
	v13 =	vmul.f32 $3.200000000e+01, v63;
	v7 =	vld.idx.msk [tilespmem:v3+s31+$0x1640 ss:$0x1], $0xffff  }
.LBB2_3:
0xfc: {  	s13 =	smov.u32 s10  }
0xfd: {  	s14 =	sand.u32 $0x2000, s10;
	s15 =	sand.u32 $0x380, s2;
	v15 =	vld.idx.msk [tilespmem:v3+s31+$0x630 ss:$0x1], $0xffff;
	[tilespmem:v3+s0+$0x670 ss:$0x1] =	vst.idx.msk $0xffff, v14;
	s13 =	sadd.s32 $0x400, s10  }
0xfe: {  	p0 =	sne.s32 s10, $0x3C00;
	s14 =	sor.u32 s15, s14;
	v14 =	vld.idx.msk [tilespmem:v3+s31+$0x240 ss:$0x1], $0xffff;
	[tilespmem:v3+s31+$0xE30 ss:$0x1] =	vst.idx.msk $0xffff, v13  }
0xff: {  	v4 =	vmul.f32 $3.200000000e+01, v4;
	v11 =	vmul.f32 $3.200000000e+01, v11;
	v13 =	vld.idx.msk [tilespmem:v3+s14+$0x200 ss:$0x1], $0xffff;
	[tilespmem:v3+s0+$0x1E60 ss:$0x1] =	vst.idx.msk $0xffff, v8  }
0x100: {  	v5 =	vmul.f32 $3.200000000e+01, v5;
	v8 =	vmul.f32 $3.200000000e+01, v12;
	[tilespmem:v3+s0+$0xE70 ss:$0x1] =	vst.idx.msk $0xffff, v9;
	v9 =	vld.idx.msk [tilespmem:v3+s0+$0x1E70 ss:$0x1], $0xffff  }
0x101: {  	v6 =	vmul.f32 $3.200000000e+01, v6;
	v12 =	vld.idx.msk [tilespmem:v3+s14+$0x1600 ss:$0x1], $0xffff;
	[tilespmem:v3+s31+$0xA20 ss:$0x1] =	vst.idx.msk $0xffff, v11  }
0x102: {  	v10 =	vmul.f32 $3.200000000e+01, v10;
	v7 =	vmul.f32 $3.200000000e+01, v7;
	v11 =	vld.idx.msk [tilespmem:v3+s14+$0xE00 ss:$0x1], $0xffff;
	[tilespmem:v3+s0+$0xA60 ss:$0x1] =	vst.idx.msk $0xffff, v8  }
0x103: {  	v8 =	vmul.f32 $3.200000000e+01, v15;
	v15 =	vld.idx.msk [tilespmem:v3+s31+$0xA30 ss:$0x1], $0xffff;
	[tilespmem:v3+s31+$0x1A30 ss:$0x1] =	vst.idx.msk $0xffff, v4  }
0x104: {  	v4 =	vld.idx.msk [tilespmem:v3+s0+$0xA70 ss:$0x1], $0xffff;
	[tilespmem:v3+s0+$0x1270 ss:$0x1] =	vst.idx.msk $0xffff, v6  }
0x105: {  	[tilespmem:v3+s31+$0x630 ss:$0x1] =	vst.idx.msk $0xffff, v8;
	v6 =	vld.idx.msk [tilespmem:v3+s31+$0x1A40 ss:$0x1], $0xffff  }
0x106: {  	v14 =	vmul.f32 $3.200000000e+01, v14;
	v8 =	vld.idx.msk [tilespmem:v3+s14+$0x600 ss:$0x1], $0xffff;
	[tilespmem:v3+s31+$0x1230 ss:$0x1] =	vst.idx.msk $0xffff, v5  }
0x107: {  	v5 =	vld.idx.msk [tilespmem:v3+s14+$0x1200 ss:$0x1], $0xffff;
	[tilespmem:v3+s31+$0x1640 ss:$0x1] =	vst.idx.msk $0xffff, v7;
	v7 =	vmul.f32 $3.200000000e+01, v9  }
0x108: {  	[tilespmem:v3+s31+$0x240 ss:$0x1] =	vst.idx.msk $0xffff, v14;
	v9 =	vld.idx.msk [tilespmem:v3+s31+$0x640 ss:$0x1], $0xffff  }
0x109: {  	v14 =	vmul.f32 $3.200000000e+01, v15;
	v15 =	vld.idx.msk [tilespmem:v3+s31+$0x1650 ss:$0x1], $0xffff;
	[tilespmem:v3+s0+$0x1E70 ss:$0x1] =	vst.idx.msk $0xffff, v7  }
0x10a: {  	v7 =	vmul.f32 $3.200000000e+01, v12;
	v4 =	vmul.f32 $3.200000000e+01, v4;
	v12 =	vld.idx.msk [tilespmem:v3+s31+$0x1240 ss:$0x1], $0xffff;
	[tilespmem:v3+s31+$0x1E20 ss:$0x1] =	vst.idx.msk $0xffff, v10  }
0x10b: {  	[tilespmem:v3+s31+$0xA30 ss:$0x1] =	vst.idx.msk $0xffff, v14;
	v10 =	vld.idx.msk [tilespmem:v3+s31+$0x1E30 ss:$0x1], $0xffff  }
0x10c: {  	v11 =	vmul.f32 $3.200000000e+01, v11;
	v14 =	vld.idx.msk [tilespmem:v3+s31+$0xE40 ss:$0x1], $0xffff;
	[tilespmem:v3+s0+$0xA70 ss:$0x1] =	vst.idx.msk $0xffff, v4;
	s0 =	smov.u32 s31;
	s31 =	smov.u32 s14  }
0x10d: {  	v6 =	vmul.f32 $3.200000000e+01, v6;
	v4 =	vmul.f32 $3.200000000e+01, v5;
	[tilespmem:v3+s31+$0x1600 ss:$0x1] =	vst.idx.msk $0xffff, v7;
	v5 =	vld.idx.msk [tilespmem:v3+s0+$0xA40 ss:$0x1], $0xffff  }
0x10e: {  	v7 =	vld.idx.msk [tilespmem:v3+s31+$0x1610 ss:$0x1], $0xffff  }
0x10f: {  	v13 =	vmul.f32 $3.200000000e+01, v13;
	v15 =	vmul.f32 $3.200000000e+01, v15;
	[tilespmem:v3+s31+$0x1200 ss:$0x1] =	vst.idx.msk $0xffff, v4;
	v4 =	vld.idx.msk [tilespmem:v3+s31+$0x1A00 ss:$0x1], $0xffff  }
0x110: {  	v12 =	vmul.f32 $3.200000000e+01, v12;
	v16 =	vld.idx.msk [tilespmem:v3+s31+$0xA00 ss:$0x1], $0xffff;
	[tilespmem:v3+s0+$0x1A40 ss:$0x1] =	vst.idx.msk $0xffff, v6  }
0x111: {  	v6 =	vmul.f32 $3.200000000e+01, v8;
	v10 =	vmul.f32 $3.200000000e+01, v10;
	v8 =	vld.idx.msk [tilespmem:v3+s0+$0x250 ss:$0x1], $0xffff;
	[tilespmem:v3+s0+$0x1650 ss:$0x1] =	vst.idx.msk $0xffff, v15  }
0x112: {  	[tilespmem:v3+s0+$0x1240 ss:$0x1] =	vst.idx.msk $0xffff, v12;
	v12 =	vld.idx.msk [tilespmem:v3+s0+$0x1A50 ss:$0x1], $0xffff  }
0x113: {  	v5 =	vmul.f32 $3.200000000e+01, v5;
	v15 =	vld.idx.msk [tilespmem:v3+s0+$0x1250 ss:$0x1], $0xffff;
	[tilespmem:v3+s0+$0x1E30 ss:$0x1] =	vst.idx.msk $0xffff, v10  }
0x114: {  	[tilespmem:v3+s31+$0x200 ss:$0x1] =	vst.idx.msk $0xffff, v13;
	v10 =	vld.idx.msk [tilespmem:v3+s0+$0x1E40 ss:$0x1], $0xffff  }
0x115: {  	v4 =	vmul.f32 $3.200000000e+01, v4;
	v13 =	vld.idx.msk [tilespmem:v3+s31+$0x210 ss:$0x1], $0xffff;
	[tilespmem:v3+s0+$0xA40 ss:$0x1] =	vst.idx.msk $0xffff, v5  }
0x116: {  	[tilespmem:v3+s31+$0xE00 ss:$0x1] =	vst.idx.msk $0xffff, v11;
	v5 =	vld.idx.msk [tilespmem:v3+s31+$0x1210 ss:$0x1], $0xffff;
	v11 =	vmul.f32 $3.200000000e+01, v14  }
0x117: {  	v9 =	vmul.f32 $3.200000000e+01, v9;
	[tilespmem:v3+s31+$0x1A00 ss:$0x1] =	vst.idx.msk $0xffff, v4;
	v4 =	vld.idx.msk [tilespmem:v3+s31+$0x1E00 ss:$0x1], $0xffff  }
0x118: {  	v14 =	vld.idx.msk [tilespmem:v3+s31+$0x1A10 ss:$0x1], $0xffff;
	[tilespmem:v3+s0+$0xE40 ss:$0x1] =	vst.idx.msk $0xffff, v11;
	v11 =	vmul.f32 $3.200000000e+01, v12  }
0x119: {  	v8 =	vmul.f32 $3.200000000e+01, v8;
	[tilespmem:v3+s0+$0x640 ss:$0x1] =	vst.idx.msk $0xffff, v9;
	v9 =	vld.idx.msk [tilespmem:v3+s0+$0xE50 ss:$0x1], $0xffff  }
0x11a: {  	v15 =	vmul.f32 $3.200000000e+01, v15;
	v12 =	vld.idx.msk [tilespmem:v3+s0+$0x650 ss:$0x1], $0xffff;
	[tilespmem:v3+s0+$0x1A50 ss:$0x1] =	vst.idx.msk $0xffff, v11  }
0x11b: {  	v11 =	vmul.f32 $3.200000000e+01, v13;
	[tilespmem:v3+s0+$0x250 ss:$0x1] =	vst.idx.msk $0xffff, v8;
	v8 =	vld.idx.msk [tilespmem:v3+s0+$0x1A60 ss:$0x1], $0xffff  }
0x11c: {  	v13 =	vld.idx.msk [tilespmem:v3+s0+$0x260 ss:$0x1], $0xffff;
	[tilespmem:v3+s0+$0x1250 ss:$0x1] =	vst.idx.msk $0xffff, v15  }
0x11d: {  	v7 =	vmul.f32 $3.200000000e+01, v7;
	[tilespmem:v3+s31+$0x210 ss:$0x1] =	vst.idx.msk $0xffff, v11;
	v11 =	vld.idx.msk [tilespmem:v3+s31+$0xE10 ss:$0x1], $0xffff  }
0x11e: {  	v5 =	vmul.f32 $3.200000000e+01, v5;
	[tilespmem:v3+s31+$0x600 ss:$0x1] =	vst.idx.msk $0xffff, v6;
	v6 =	vmul.f32 $3.200000000e+01, v14;
	v14 =	vld.idx.msk [tilespmem:v3+s0+$0x1260 ss:$0x1], $0xffff  }
0x11f: {  	v15 =	vld.idx.msk [tilespmem:v3+s31+$0x220 ss:$0x1], $0xffff;
	[tilespmem:v3+s31+$0x1610 ss:$0x1] =	vst.idx.msk $0xffff, v7;
	v7 =	vmul.f32 $3.200000000e+01, v9  }
0x120: {  	[tilespmem:v3+s31+$0x1210 ss:$0x1] =	vst.idx.msk $0xffff, v5;
	v5 =	vmul.f32 $3.200000000e+01, v12;
	v9 =	vld.idx.msk [tilespmem:v3+s0+$0x1660 ss:$0x1], $0xffff  }
0x121: {  	v12 =	vmul.f32 $3.200000000e+01, v16;
	v16 =	vld.idx.msk [tilespmem:v3+s31+$0x1620 ss:$0x1], $0xffff;
	[tilespmem:v3+s31+$0x1A10 ss:$0x1] =	vst.idx.msk $0xffff, v6  }
0x122: {  	v6 =	vmul.f32 $3.200000000e+01, v13;
	[tilespmem:v3+s0+$0x650 ss:$0x1] =	vst.idx.msk $0xffff, v5;
	v13 =	vld.idx.msk [tilespmem:v3+s0+$0xA50 ss:$0x1], $0xffff;
	v5 =	vmul.f32 $3.200000000e+01, v8  }
0x123: {  	v10 =	vmul.f32 $3.200000000e+01, v10;
	[tilespmem:v3+s31+$0xA00 ss:$0x1] =	vst.idx.msk $0xffff, v12;
	v8 =	vld.idx.msk [tilespmem:v3+s0+$0x660 ss:$0x1], $0xffff  }
0x124: {  	v12 =	vld.idx.msk [tilespmem:v3+s31+$0x1A20 ss:$0x1], $0xffff;
	[tilespmem:v3+s0+$0x260 ss:$0x1] =	vst.idx.msk $0xffff, v6  }
0x125: {  	v6 =	vld.idx.msk [tilespmem:v3+s31+$0x1220 ss:$0x1], $0xffff;
	[tilespmem:v3+s0+$0x1E40 ss:$0x1] =	vst.idx.msk $0xffff, v10  }
0x126: {  	v10 =	vmul.f32 $3.200000000e+01, v11;
	[tilespmem:v3+s0+$0x1A60 ss:$0x1] =	vst.idx.msk $0xffff, v5;
	v5 =	vld.idx.msk [tilespmem:v3+s0+$0x1E50 ss:$0x1], $0xffff  }
0x127: {  	v11 =	vmul.f32 $3.200000000e+01, v15;
	v15 =	vld.idx.msk [tilespmem:v3+s31+$0xA10 ss:$0x1], $0xffff;
	[tilespmem:v3+s0+$0xE50 ss:$0x1] =	vst.idx.msk $0xffff, v7  }
0x128: {  	[tilespmem:v3+s31+$0xE10 ss:$0x1] =	vst.idx.msk $0xffff, v10;
	v7 =	vld.idx.msk [tilespmem:v3+s0+$0xE60 ss:$0x1], $0xffff;
	v10 =	vmul.f32 $3.200000000e+01, v14  }
0x129: {  	v8 =	vmul.f32 $3.200000000e+01, v8;
	[tilespmem:v3+s31+$0x220 ss:$0x1] =	vst.idx.msk $0xffff, v11;
	v11 =	vld.idx.msk [tilespmem:v3+s31+$0x610 ss:$0x1], $0xffff  }
0x12a: {  	v4 =	vmul.f32 $3.200000000e+01, v4;
	[tilespmem:v3+s0+$0x1260 ss:$0x1] =	vst.idx.msk $0xffff, v10;
	v10 =	vld.idx.msk [tilespmem:v3+s0+$0x1A70 ss:$0x1], $0xffff  }
0x12b: {  	v16 =	vmul.f32 $3.200000000e+01, v16;
	v14 =	vld.idx.msk [tilespmem:v3+s31+$0xE20 ss:$0x1], $0xffff;
	[tilespmem:v3+s0+$0x660 ss:$0x1] =	vst.idx.msk $0xffff, v8  }
0x12c: {  	v12 =	vmul.f32 $3.200000000e+01, v12;
	v8 =	vld.idx.msk [tilespmem:v3+s31+$0x230 ss:$0x1], $0xffff;
	[tilespmem:v3+s31+$0x1E00 ss:$0x1] =	vst.idx.msk $0xffff, v4;
	v4 =	vmul.f32 $3.200000000e+01, v5  }
0x12d: {  	v9 =	vmul.f32 $3.200000000e+01, v9;
	[tilespmem:v3+s31+$0x1620 ss:$0x1] =	vst.idx.msk $0xffff, v16;
	v5 =	vld.idx.msk [tilespmem:v3+s0+$0x270 ss:$0x1], $0xffff  }
0x12e: {  	v7 =	vmul.f32 $3.200000000e+01, v7;
	v16 =	vld.idx.msk [tilespmem:v3+s31+$0x1E10 ss:$0x1], $0xffff;
	[tilespmem:v3+s0+$0x1E50 ss:$0x1] =	vst.idx.msk $0xffff, v4  }
0x12f: {  	v4 =	vmul.f32 $3.200000000e+01, v11;
	[tilespmem:v3+s0+$0x1660 ss:$0x1] =	vst.idx.msk $0xffff, v9;
	v9 =	vld.idx.msk [tilespmem:v3+s0+$0x1E60 ss:$0x1], $0xffff  }
0x130: {  	v6 =	vmul.f32 $3.200000000e+01, v6;
	[tilespmem:v3+s31+$0x1A20 ss:$0x1] =	vst.idx.msk $0xffff, v12;
	v11 =	vld.idx.msk [tilespmem:v3+s0+$0x1670 ss:$0x1], $0xffff  }
0x131: {  	v12 =	vmul.f32 $3.200000000e+01, v15;
	v14 =	vmul.f32 $3.200000000e+01, v14;
	v15 =	vld.idx.msk [tilespmem:v3+s0+$0x670 ss:$0x1], $0xffff;
	[tilespmem:v3+s0+$0xE60 ss:$0x1] =	vst.idx.msk $0xffff, v7  }
0x132: {  	[tilespmem:v3+s31+$0x610 ss:$0x1] =	vst.idx.msk $0xffff, v4;
	v7 =	vld.idx.msk [tilespmem:v3+s0+$0xE70 ss:$0x1], $0xffff  }
0x133: {  	[tilespmem:v3+s31+$0xA10 ss:$0x1] =	vst.idx.msk $0xffff, v12;
	v4 =	vld.idx.msk [tilespmem:v3+s31+$0x1A30 ss:$0x1], $0xffff  }
0x134: {  	v12 =	vmul.f32 $3.200000000e+01, v8;
	[tilespmem:v3+s31+$0xE20 ss:$0x1] =	vst.idx.msk $0xffff, v14;
	v14 =	vld.idx.msk [tilespmem:v3+s31+$0x1630 ss:$0x1], $0xffff  }
0x135: {  	v8 =	vmul.f32 $3.200000000e+01, v9;
	v17 =	vld.idx.msk [tilespmem:v3+s31+$0x620 ss:$0x1], $0xffff;
	[tilespmem:v3+s31+$0x1220 ss:$0x1] =	vst.idx.msk $0xffff, v6;
	v6 =	vmul.f32 $3.200000000e+01, v5  }
0x136: {  	v9 =	vmul.f32 $3.200000000e+01, v16;
	[tilespmem:v3+s31+$0x230 ss:$0x1] =	vst.idx.msk $0xffff, v12;
	v5 =	vld.idx.msk [tilespmem:v3+s31+$0x1230 ss:$0x1], $0xffff;
	v12 =	vmul.f32 $3.200000000e+01, v11  }
0x137: {  	v11 =	vmul.f32 $3.200000000e+01, v13;
	v16 =	vld.idx.msk [tilespmem:v3+s31+$0xE30 ss:$0x1], $0xffff;
	[tilespmem:v3+s0+$0x270 ss:$0x1] =	vst.idx.msk $0xffff, v6  }
0x138: {  	[tilespmem:v3+s31+$0x1E10 ss:$0x1] =	vst.idx.msk $0xffff, v9;
	v9 =	vmul.f32 $3.200000000e+01, v7;
	v6 =	vld.idx.msk [tilespmem:v3+s0+$0x1270 ss:$0x1], $0xffff  }
.Ltmp0:
0x139: {  	v7 =	vmul.f32 $3.200000000e+01, v10;
	[tilespmem:v3+s0+$0xA50 ss:$0x1] =	vst.idx.msk $0xffff, v11;
	(pc) =	sbr.rel @p0 .LBB2_3-.Ltmp0, $4  }
0x13a: {  	v10 =	vmul.f32 $3.200000000e+01, v14;
	v11 =	vld.idx.msk [tilespmem:v3+s31+$0xA20 ss:$0x1], $0xffff;
	[tilespmem:v3+s0+$0x1670 ss:$0x1] =	vst.idx.msk $0xffff, v12  }
0x13b: {  	v13 =	vmul.f32 $3.200000000e+01, v17;
	v12 =	vld.idx.msk [tilespmem:v3+s0+$0xA60 ss:$0x1], $0xffff;
	[tilespmem:v3+s0+$0x1A70 ss:$0x1] =	vst.idx.msk $0xffff, v7  }
0x13c: {  	v14 =	vmul.f32 $3.200000000e+01, v15;
	[tilespmem:v3+s31+$0x1630 ss:$0x1] =	vst.idx.msk $0xffff, v10;
	v10 =	vld.idx.msk [tilespmem:v3+s31+$0x1E20 ss:$0x1], $0xffff  }
0x13d: {  	s2 =	sadd.s32 $0x80, s2;
	s10 =	smov.u32 s13;
	[tilespmem:v3+s31+$0x620 ss:$0x1] =	vst.idx.msk $0xffff, v13;
	v13 =	vmul.f32 $3.200000000e+01, v16;
	v7 =	vld.idx.msk [tilespmem:v3+s31+$0x1640 ss:$0x1], $0xffff  }
0x13e: {  	_ =	sdelay $0x3  }
0x13f: {  	[tilespmem:v3+s0+$0x670 ss:$0x1] =	vst.idx.msk $0xffff, v14  }
0x140: {  	[tilespmem:v3+s0+$0x1E60 ss:$0x1] =	vst.idx.msk $0xffff, v8;
	v11 =	vmul.f32 $3.200000000e+01, v11  }
0x141: {  	[tilespmem:v3+s0+$0xE70 ss:$0x1] =	vst.idx.msk $0xffff, v9;
	v61 =	vmul.f32 $3.200000000e+01, v12  }
0x142: {  	v60 =	vld.idx.msk [tilespmem:v3+s31+$0x630 ss:$0x1], $0xffff;
	[tilespmem:v3+s31+$0xA20 ss:$0x1] =	vst.idx.msk $0xffff, v11  }
0x143: {  	v62 =	vld.idx.msk [tilespmem:v3+s0+$0x1E70 ss:$0x1], $0xffff;
	v10 =	vmul.f32 $3.200000000e+01, v10;
	[tilespmem:v3+s0+$0xA60 ss:$0x1] =	vst.idx.msk $0xffff, v61  }
0x144: {  	v4 =	vmul.f32 $3.200000000e+01, v4;
	[tilespmem:v3+s31+$0xE30 ss:$0x1] =	vst.idx.msk $0xffff, v13;
	v8 =	vld.idx.msk [tilespmem:v3+s31+$0xA30 ss:$0x1], $0xffff  }
0x145: {  	v6 =	vmul.f32 $3.200000000e+01, v6;
	[tilespmem:v3+s31+$0x1E20 ss:$0x1] =	vst.idx.msk $0xffff, v10;
	v17 =	vld.idx.msk [tilespmem:v3+s0+$0xA70 ss:$0x1], $0xffff  }
0x146: {  	v5 =	vmul.f32 $3.200000000e+01, v5;
	[tilespmem:v3+s31+$0x1A30 ss:$0x1] =	vst.idx.msk $0xffff, v4;
	v63 =	vld.idx.msk [tilespmem:v3+s31+$0x1E30 ss:$0x1], $0xffff  }
0x147: {  	v18 =	vld.idx.msk [tilespmem:v3+s31+$0x240 ss:$0x1], $0xffff;
	[tilespmem:v3+s0+$0x1270 ss:$0x1] =	vst.idx.msk $0xffff, v6;
	v16 =	vmul.f32 $3.200000000e+01, v60  }
0x148: {  	[tilespmem:v3+s31+$0x1230 ss:$0x1] =	vst.idx.msk $0xffff, v5;
	v24 =	vld.idx.msk [tilespmem:v3+s31+$0xE40 ss:$0x1], $0xffff;
	v19 =	vmul.f32 $3.200000000e+01, v62  }
0x149: {  	v20 =	vld.idx.msk [tilespmem:v3+s31+$0x1A40 ss:$0x1], $0xffff;
	[tilespmem:v3+s31+$0x630 ss:$0x1] =	vst.idx.msk $0xffff, v16;
	v21 =	vmul.f32 $3.200000000e+01, v8  }
0x14a: {  	v26 =	vld.idx.msk [tilespmem:v3+s31+$0x1240 ss:$0x1], $0xffff;
	[tilespmem:v3+s0+$0x1E70 ss:$0x1] =	vst.idx.msk $0xffff, v19;
	v4 =	vmul.f32 $3.200000000e+01, v17  }
0x14b: {  	v23 =	vmul.f32 $3.200000000e+01, v63;
	[tilespmem:v3+s31+$0xA30 ss:$0x1] =	vst.idx.msk $0xffff, v21  }
0x14c: {  	v25 =	vmul.f32 $3.200000000e+01, v18;
	v22 =	vld.idx.msk [tilespmem:v3+s31+$0x640 ss:$0x1], $0xffff;
	[tilespmem:v3+s0+$0xA70 ss:$0x1] =	vst.idx.msk $0xffff, v4  }
0x14d: {  	v5 =	vmul.f32 $3.200000000e+01, v24;
	[tilespmem:v3+s31+$0x1E30 ss:$0x1] =	vst.idx.msk $0xffff, v23;
	v29 =	vld.idx.msk [tilespmem:v3+s31+$0xA40 ss:$0x1], $0xffff  }
0x14e: {  	[tilespmem:v3+s31+$0x240 ss:$0x1] =	vst.idx.msk $0xffff, v25;
	v30 =	vmul.f32 $3.200000000e+01, v20;
	v28 =	vld.idx.msk [tilespmem:v3+s31+$0x1E40 ss:$0x1], $0xffff  }
0x14f: {  	v31 =	vld.idx.msk [tilespmem:v3+s31+$0x250 ss:$0x1], $0xffff;
	v33 =	vmul.f32 $3.200000000e+01, v26;
	[tilespmem:v3+s31+$0xE40 ss:$0x1] =	vst.idx.msk $0xffff, v5  }
0x150: {  	v27 =	vmul.f32 $3.200000000e+01, v7;
	[tilespmem:v3+s31+$0x1A40 ss:$0x1] =	vst.idx.msk $0xffff, v30;
	v36 =	vld.idx.msk [tilespmem:v3+s31+$0xE50 ss:$0x1], $0xffff  }
0x151: {  	[tilespmem:v3+s31+$0x1240 ss:$0x1] =	vst.idx.msk $0xffff, v33;
	v34 =	vld.idx.msk [tilespmem:v3+s31+$0x1A50 ss:$0x1], $0xffff;
	v8 =	vmul.f32 $3.200000000e+01, v22  }
0x152: {  	[tilespmem:v3+s31+$0x1640 ss:$0x1] =	vst.idx.msk $0xffff, v27;
	v9 =	vld.idx.msk [tilespmem:v3+s31+$0x1250 ss:$0x1], $0xffff;
	v7 =	vmul.f32 $3.200000000e+01, v29  }
0x153: {  	v32 =	vld.idx.msk [tilespmem:v3+s31+$0x1650 ss:$0x1], $0xffff;
	[tilespmem:v3+s31+$0x640 ss:$0x1] =	vst.idx.msk $0xffff, v8;
	v4 =	vmul.f32 $3.200000000e+01, v28  }
0x154: {  	v6 =	vmul.f32 $3.200000000e+01, v31;
	v35 =	vld.idx.msk [tilespmem:v3+s31+$0x650 ss:$0x1], $0xffff;
	[tilespmem:v3+s31+$0xA40 ss:$0x1] =	vst.idx.msk $0xffff, v7  }
0x155: {  	v8 =	vmul.f32 $3.200000000e+01, v36;
	[tilespmem:v3+s31+$0x1E40 ss:$0x1] =	vst.idx.msk $0xffff, v4;
	v40 =	vld.idx.msk [tilespmem:v3+s31+$0xA50 ss:$0x1], $0xffff  }
0x156: {  	[tilespmem:v3+s31+$0x250 ss:$0x1] =	vst.idx.msk $0xffff, v6;
	v39 =	vmul.f32 $3.200000000e+01, v34;
	v38 =	vld.idx.msk [tilespmem:v3+s31+$0x1E50 ss:$0x1], $0xffff  }
0x157: {  	v41 =	vld.idx.msk [tilespmem:v3+s31+$0x260 ss:$0x1], $0xffff;
	v9 =	vmul.f32 $3.200000000e+01, v9;
	[tilespmem:v3+s31+$0xE50 ss:$0x1] =	vst.idx.msk $0xffff, v8  }
0x158: {  	v37 =	vmul.f32 $3.200000000e+01, v32;
	[tilespmem:v3+s31+$0x1A50 ss:$0x1] =	vst.idx.msk $0xffff, v39;
	v8 =	vld.idx.msk [tilespmem:v3+s31+$0xE60 ss:$0x1], $0xffff  }
0x159: {  	[tilespmem:v3+s31+$0x1250 ss:$0x1] =	vst.idx.msk $0xffff, v9;
	v43 =	vld.idx.msk [tilespmem:v3+s31+$0x1A60 ss:$0x1], $0xffff;
	v5 =	vmul.f32 $3.200000000e+01, v35  }
0x15a: {  	[tilespmem:v3+s31+$0x1650 ss:$0x1] =	vst.idx.msk $0xffff, v37;
	v9 =	vld.idx.msk [tilespmem:v3+s31+$0x1260 ss:$0x1], $0xffff;
	v6 =	vmul.f32 $3.200000000e+01, v40  }
0x15b: {  	v42 =	vld.idx.msk [tilespmem:v3+s31+$0x1660 ss:$0x1], $0xffff;
	[tilespmem:v3+s31+$0x650 ss:$0x1] =	vst.idx.msk $0xffff, v5;
	v7 =	vmul.f32 $3.200000000e+01, v38  }
0x15c: {  	v4 =	vmul.f32 $3.200000000e+01, v41;
	v5 =	vld.idx.msk [tilespmem:v3+s31+$0x660 ss:$0x1], $0xffff;
	[tilespmem:v3+s31+$0xA50 ss:$0x1] =	vst.idx.msk $0xffff, v6  }
0x15d: {  	v49 =	vmul.f32 $3.200000000e+01, v8;
	[tilespmem:v3+s31+$0x1E50 ss:$0x1] =	vst.idx.msk $0xffff, v7;
	v47 =	vld.idx.msk [tilespmem:v3+s31+$0xA60 ss:$0x1], $0xffff  }
0x15e: {  	[tilespmem:v3+s31+$0x260 ss:$0x1] =	vst.idx.msk $0xffff, v4;
	v46 =	vmul.f32 $3.200000000e+01, v43;
	v45 =	vld.idx.msk [tilespmem:v3+s31+$0x1E60 ss:$0x1], $0xffff  }
0x15f: {  	v48 =	vld.idx.msk [tilespmem:v3+s31+$0x270 ss:$0x1], $0xffff;
	v50 =	vmul.f32 $3.200000000e+01, v9;
	[tilespmem:v3+s31+$0xE60 ss:$0x1] =	vst.idx.msk $0xffff, v49  }
0x160: {  	v44 =	vmul.f32 $3.200000000e+01, v42;
	[tilespmem:v3+s31+$0x1A60 ss:$0x1] =	vst.idx.msk $0xffff, v46;
	v53 =	vld.idx.msk [tilespmem:v3+s31+$0xE70 ss:$0x1], $0xffff  }
0x161: {  	[tilespmem:v3+s31+$0x1260 ss:$0x1] =	vst.idx.msk $0xffff, v50;
	v51 =	vld.idx.msk [tilespmem:v3+s31+$0x1A70 ss:$0x1], $0xffff;
	v5 =	vmul.f32 $3.200000000e+01, v5  }
0x162: {  	[tilespmem:v3+s31+$0x1660 ss:$0x1] =	vst.idx.msk $0xffff, v44;
	v55 =	vld.idx.msk [tilespmem:v3+s31+$0x1270 ss:$0x1], $0xffff;
	v4 =	vmul.f32 $3.200000000e+01, v47  }
0x163: {  	v7 =	vld.idx.msk [tilespmem:v3+s31+$0x1670 ss:$0x1], $0xffff;
	[tilespmem:v3+s31+$0x660 ss:$0x1] =	vst.idx.msk $0xffff, v5;
	v52 =	vmul.f32 $3.200000000e+01, v45  }
0x164: {  	v54 =	vmul.f32 $3.200000000e+01, v48;
	v5 =	vld.idx.msk [tilespmem:v3+s31+$0x670 ss:$0x1], $0xffff;
	[tilespmem:v3+s31+$0xA60 ss:$0x1] =	vst.idx.msk $0xffff, v4  }
0x165: {  	v60 =	vmul.f32 $3.200000000e+01, v53;
	[tilespmem:v3+s31+$0x1E60 ss:$0x1] =	vst.idx.msk $0xffff, v52;
	v59 =	vld.idx.msk [tilespmem:v3+s31+$0xA70 ss:$0x1], $0xffff  }
0x166: {  	[tilespmem:v3+s31+$0x270 ss:$0x1] =	vst.idx.msk $0xffff, v54;
	v58 =	vmul.f32 $3.200000000e+01, v51;
	v57 =	vld.idx.msk [tilespmem:v3+s31+$0x1E70 ss:$0x1], $0xffff  }
0x167: {  	v61 =	vmul.f32 $3.200000000e+01, v55;
	[tilespmem:v3+s31+$0xE70 ss:$0x1] =	vst.idx.msk $0xffff, v60  }
0x168: {  	v56 =	vmul.f32 $3.200000000e+01, v7;
	[tilespmem:v3+s31+$0x1A70 ss:$0x1] =	vst.idx.msk $0xffff, v58  }
0x169: {  	[tilespmem:v3+s31+$0x1270 ss:$0x1] =	vst.idx.msk $0xffff, v61;
	v5 =	vmul.f32 $3.200000000e+01, v5  }
0x16a: {  	[tilespmem:v3+s31+$0x1670 ss:$0x1] =	vst.idx.msk $0xffff, v56;
	v63 =	vmul.f32 $3.200000000e+01, v59  }
0x16b: {  	[tilespmem:v3+s31+$0x670 ss:$0x1] =	vst.idx.msk $0xffff, v5;
	v62 =	vmul.f32 $3.200000000e+01, v57  }
0x16c: {  	s15 =	sshll.u32 s26, $0xB;
	[tilespmem:v3+s31+$0xA70 ss:$0x1] =	vst.idx.msk $0xffff, v63  }
0x16d: {  	s2 =	sadd.s32 $0x200, s30;
	s10 =	sadd.s32 $0x8, s28;
	s0 =	sadd.s32 s15, s8;
	[tilespmem:v3+s31+$0x1E70 ss:$0x1] =	vst.idx.msk $0xffff, v62  }
0x16e: {  	[hbm4b:s0+s3] =	stream.linear.scatter [tilespmem:s2], [sflag:s10], $0x4000, $0x38;
	[tilespmem:$0x1C200] =	vst v63  }
0x16f: {  	p0 =	sgt.u32 s26, $0x19;
	s0 =	sadd.s32 $0x6, s28  }
0x170: {  	p2 =	seq.s32 @!p0 s26, $0x0;
	s2 =	sadd.s32 $0xFFFFFFFF, s28;
	p1 =	sgt.s32 s0, $0x6  }
0x171: {  	s0 =	smov.u32 @p1 s2;
	p1 =	por p2, p0  }
0x172: {  	s2 =	sadd.s32 @!p1 $0x8, s0  }
0x173: {  	_ =	swait.ge @!p1 [sflag:s2], $0x4000  }
0x174: {  	s10 =	sshll.u32 @!p0 s26, $0x4;
	[sflag:s2] =	ssyncset.done @!p1 $0x0  }
0x175: {  	[sflag:s2] =	ssyncadd.s32 @!p1 $0xFFFFC000;
	s2 =	sand.u32 @!p0 $0x3FFFFFF0, s10  }
0x176: {  	v3 =	vld @!p0 [tilespmem:s2+$0x60];
	_ =	sdelay $0x4  }
0x177: {  	v4 =	vshll.u32 @!p0 v3, $0x3  }
0x178: {  	v5 =	vlaneseq.u32 @!p0;
	v3 =	vand.u32 @!p0 $0x7, v3;
	v4 =	vand.u32 @!p0 $0xFFFFFFC0, v4  }
0x179: {  	v6 =	vshrl.u32 @!p0 v5, $0x3;
	v3 =	vor.u32 @!p0 v3, v4;
	v4 =	vand.u32 @!p0 $0x7, v5  }
0x17a: {  	v6 =	vmul.u32 @!p0 $0x8, v6;
	v4 =	vperm.xlane @!p0 v3, v4;
	_ =	sdelay $0x1  }
0x17b: {  	v4 =	vadd.s32 @!p0 v6, v4;
	_ =	sdelay $0x1  }
0x17c: {  	s2 =	sshll.u32 @!p0 s0, $0x10  }
0x17d: {  	s2 =	sshra.s32 @!p0 s2, $0x2  }
0x17e: {  	vm1 =	vmmov @!p0 $0xffff;
	s13 =	simm.s32 @!p0 $0x0;
	s0 =	sadd.s32 @!p0 $0x1, s0;
	s10 =	sor.u32 @!p0 $0x200, s2  }
0x17f: {  	v5 =	vor.u32 @!p0 $0x8, v5;
	[tilespmem:s10], [sflag:s0] =	stream.indirect_vreg.gather @!p0 [hbm4b:s1+s13], $0x80, v4, vm1, $0xb8;
	[tilespmem:$0x1C200] =	vst v63  }
0x180: {  	v3 =	vperm.xlane @!p0 v3, v5;
	s10 =	sor.u32 @!p0 $0xA00, s2  }
0x181: {  	[tilespmem:s10], [sflag:s0] =	stream.indirect_vreg.gather @!p0 [hbm4b:s5+s13], $0x80, v4, vm1, $0xb8;
	[tilespmem:$0x1C200] =	vst v63  }
0x182: {  	v3 =	vadd.s32 @!p0 v6, v3;
	s10 =	sor.u32 @!p0 $0x1200, s2  }
0x183: {  	[tilespmem:s10], [sflag:s0] =	stream.indirect_vreg.gather @!p0 [hbm4b:s6+s13], $0x80, v4, vm1, $0xb8;
	[tilespmem:$0x1C200] =	vst v63  }
0x184: {  	s10 =	sor.u32 @!p0 $0x1A00, s2  }
0x185: {  	[tilespmem:s10], [sflag:s0] =	stream.indirect_vreg.gather @!p0 [hbm4b:s7+s13], $0x80, v4, vm1, $0xb8;
	[tilespmem:$0x1C200] =	vst v63  }
0x186: {  	s10 =	sor.u32 @!p0 $0x2200, s2  }
0x187: {  	[tilespmem:s10], [sflag:s0] =	stream.indirect_vreg.gather @!p0 [hbm4b:s1+s13], $0x80, v3, vm1, $0xb8;
	[tilespmem:$0x1C200] =	vst v63  }
0x188: {  	s10 =	sor.u32 @!p0 $0x2A00, s2  }
0x189: {  	[tilespmem:s10], [sflag:s0] =	stream.indirect_vreg.gather @!p0 [hbm4b:s5+s13], $0x80, v3, vm1, $0xb8;
	[tilespmem:$0x1C200] =	vst v63  }
0x18a: {  	s10 =	sor.u32 @!p0 $0x3200, s2  }
0x18b: {  	[tilespmem:s10], [sflag:s0] =	stream.indirect_vreg.gather @!p0 [hbm4b:s6+s13], $0x80, v3, vm1, $0xb8;
	[tilespmem:$0x1C200] =	vst v63  }
0x18c: {  	s2 =	sor.u32 @!p0 $0x3A00, s2  }
0x18d: {  	[tilespmem:s2], [sflag:s0] =	stream.indirect_vreg.gather @!p0 [hbm4b:s7+s13], $0x80, v3, vm1, $0xb8;
	[tilespmem:$0x1C200] =	vst v63  }
0x18e: {  	s26 =	sadd.s32 $0x1, s26;
	p0 =	seq.s32 s28, $0x6  }
0x18f: {  	s29 =	simm.s32 @p0 $0x0;
	p0 =	sne.s32 s26, $0x20  }
.Ltmp1:
0x190: {  	_ = 	snop;
	(pc) =	sbr.rel @p0 .LBB2_2-.Ltmp1, $2  }
0x191: {  	_ =	sdelay $0x2  }
0x192: {  	s28 =	smov.u32 s29  }
0x193: {  	_ =	swait.ge [sflag:s18], $0x4000  }
0x194: {  	[sflag:s18] =	ssyncset.done $0x0  }
0x195: {  	[sflag:s18] =	ssyncadd.s32 $0xFFFFC000  }
0x196: {  	_ =	swait.ge [sflag:s19], $0x4000  }
0x197: {  	[sflag:s19] =	ssyncset.done $0x0  }
0x198: {  	[sflag:s19] =	ssyncadd.s32 $0xFFFFC000  }
0x199: {  	_ =	swait.ge [sflag:s20], $0x4000  }
0x19a: {  	[sflag:s20] =	ssyncset.done $0x0  }
0x19b: {  	[sflag:s20] =	ssyncadd.s32 $0xFFFFC000  }
0x19c: {  	_ =	swait.ge [sflag:s21], $0x4000  }
0x19d: {  	[sflag:s21] =	ssyncset.done $0x0  }
0x19e: {  	[sflag:s21] =	ssyncadd.s32 $0xFFFFC000  }
0x19f: {  	_ =	swait.ge [sflag:s22], $0x4000  }
0x1a0: {  	[sflag:s22] =	ssyncset.done $0x0  }
0x1a1: {  	s25 =	sadd.s32 $0x1, s25;
	[sflag:s22] =	ssyncadd.s32 $0xFFFFC000  }
0x1a2: {  	p0 =	sne.s32 s25, s9;
	_ =	swait.ge [sflag:s23], $0x4000  }
.Ltmp2:
0x1a3: {  	[sflag:s23] =	ssyncset.done $0x0;
	(pc) =	sbr.rel @p0 .LBB2_1-.Ltmp2, $4  }
0x1a4: {  	[sflag:s23] =	ssyncadd.s32 $0xFFFFC000  }
0x1a5: {  	_ =	swait.ge [sflag:s24], $0x4000  }
0x1a6: {  	[sflag:s24] =	ssyncset.done $0x0  }
0x1a7: {  	[sflag:s24] =	ssyncadd.s32 $0xFFFFC000  }
0x1a8: {  	_ =	sfence.sel $0x180000  }
0x1a9: {  	[bflag:$0x0] =	sbarrier.arrive $0xFFFF  }
0x1aa: {  	_ =	strace $0x90000047  }
0x1ab: {  	s0 =	stileid.u32;
	[bflag:$0x2] =	sbarrier.arrive $0xFFFF  }
0x1ac: {  	p0 =	sne.s32 s0, $0x0;
	s0 =	rddreg [dreg:$0x3]  }
0x1ad: {  	s0 =	sadd.s32 @!p0 $0x100000, s0  }
0x1ae: {  	[sflag:s0] =	ssyncadd.tile.s32 @!p0 $0x1;
	_ =	shalt  }
.Lfunc_end2:
_tile_overlayer_lowered:
.L_overlay_start_2:
0x1af: {  	(tag) =	ssettag $0x2  }
0x1b0: {  	s0 =	rddreg [dreg:$0x0];
	s2 =	stileid.u32  }
0x1b1: {  	s1 =	rddreg [dreg:$0x1];
	p0 =	sne.s32 s2, $0x0  }
0x1b2: {  	s3 =	rddreg [dreg:$0x2];
	[bflag:$0x3] =	sbarrier.arrive $0xFFFF;
	s2 =	simm.s32 @!p0 $0x1C0F  }
0x1b3: {  	[timem:s3], [sflag:s2] =	dma.local @!p0 [hbm:s0], s1  }
0x1b4: {  	s0 =	simm.s32 @!p0 $0xF  }
0x1b5: {  	_ =	swait.ge @!p0 [sflag:s0], s1  }
0x1b6: {  	s1 =	ssub.s32 @!p0 $0x0, s1;
	[sflag:s0] =	ssyncset.done @!p0 $0x0  }
0x1b7: {  	[sflag:s0] =	ssyncadd.s32 @!p0 s1  }
0x1b8: {  	[bflag:$0x3] =	sbarrier.arrive $0xFFFF  }
0x1b9: {  	_ =	shalt  }

</sc_bundles>
